<compile_context>
chip_gen: v7x
topology: tpu7x:2x2x1
jax: 0.10.2.dev20260603
libtpu: 0.0.44.dev20260713+nightly
codegen_flags: <defaults>
</compile_context>

<pallas_src>
import functools

import jax
import jax.numpy as jnp
from jax import lax
from jax.experimental import pallas as pl
from jax.experimental.pallas import tpu as pltpu
from jax.experimental.pallas import tpu_sc as plsc

B, S, H = 4, 2048, 1024
T = 2
N = B * S
NW = 32
NSLICE = 4
SSL = S // NSLICE
NSL = B * SSL
TPW = NSL // NW
WPB = NW // B
C = 32
NCHUNK = TPW // C
NSLOT = 3

_mesh = plsc.VectorSubcoreMesh(core_axis_name="c", subcore_axis_name="s")

_SC_SCRATCH = [
    pltpu.VMEM((TPW,), jnp.int32),
    pltpu.VMEM((NSLOT, C, H), jnp.float32),
    pltpu.SemaphoreType.DMA,
    pltpu.SemaphoreType.DMA,
    pltpu.SemaphoreType.DMA,
    pltpu.SemaphoreType.DMA,
    pltpu.SemaphoreType.DMA,
    pltpu.SemaphoreType.DMA,
]


def _make_sc_gather(slice_i):
    @functools.partial(
        pl.kernel,
        mesh=_mesh,
        out_type=jax.ShapeDtypeStruct((NSL, H), jnp.float32),
        scratch_types=_SC_SCRATCH,
    )
    def _sc_gather(ids_hbm, word_hbm, out_hbm, idx_v, wbuf,
                   g0, g1, g2, o0, o1, o2):
        wid = lax.axis_index("s") * 2 + lax.axis_index("c")
        b = wid // WPB
        local = (wid % WPB) * TPW
        col0 = slice_i * SSL + local
        out0 = b * SSL + local
        gsem = (g0, g1, g2)
        osem = (o0, o1, o2)

        pltpu.sync_copy(ids_hbm.at[b, pl.ds(col0, TPW)], idx_v)

        def start_gather(k):
            idx = idx_v.at[pl.ds(k * C, C)]
            return pltpu.async_copy(word_hbm.at[idx], wbuf.at[k % NSLOT],
                                    gsem[k % NSLOT])

        gcp = {k: start_gather(k) for k in range(min(NSLOT - 1, NCHUNK))}
        ocp = {}
        for k in range(NCHUNK):
            gcp.pop(k).wait()
            ocp[k] = pltpu.async_copy(wbuf.at[k % NSLOT],
                                      out_hbm.at[pl.ds(out0 + k * C, C)],
                                      osem[k % NSLOT])
            nxt = k + NSLOT - 1
            if nxt < NCHUNK:
                if k - 1 in ocp:
                    ocp.pop(k - 1).wait()
                gcp[nxt] = start_gather(nxt)
        for d in ocp.values():
            d.wait()

    return _sc_gather


_SC_GATHERS = [_make_sc_gather(i) for i in range(NSLICE)]


def _add_body_first(w_ref, pos_ref, typ_ref, oh_ref, out_ref):
    m = oh_ref[0, :, 0:1]
    typed = jnp.where(m > 0.5, typ_ref[0:1, :], typ_ref[1:2, :])
    out_ref[...] = w_ref[...] + pos_ref[...] + typed


def _add_body_chain(acc_ref, w_ref, pos_ref, typ_ref, oh_ref, out_ref):
    del acc_ref
    _add_body_first(w_ref, pos_ref, typ_ref, oh_ref, out_ref)


def _tc_add_slice(i, w_i, pos, typ, oh, acc):
    nsb = S // SSL
    w_spec = pl.BlockSpec((SSL, H), lambda b: (b, 0))
    pos_spec = pl.BlockSpec((SSL, H), lambda b, _i=i: (_i, 0))
    typ_spec = pl.BlockSpec((T, H), lambda b: (0, 0))
    oh_spec = pl.BlockSpec((1, SSL, T), lambda b, _i=i: (b, _i, 0))
    out_spec = pl.BlockSpec((SSL, H), lambda b, _i=i: (b * nsb + _i, 0))
    out_shape = jax.ShapeDtypeStruct((N, H), jnp.float32)
    if acc is None:
        return pl.pallas_call(
            _add_body_first,
            grid=(B,),
            in_specs=[w_spec, pos_spec, typ_spec, oh_spec],
            out_specs=out_spec,
            out_shape=out_shape,
        )(w_i, pos, typ, oh)
    return pl.pallas_call(
        _add_body_chain,
        grid=(B,),
        in_specs=[pl.BlockSpec(memory_space=pl.ANY),
                  w_spec, pos_spec, typ_spec, oh_spec],
        out_specs=out_spec,
        out_shape=out_shape,
        input_output_aliases={0: 0},
    )(acc, w_i, pos, typ, oh)


def kernel(input_ids, token_type_ids, word_embeddings, position_embeddings,
           token_type_embeddings):
    oh = jax.nn.one_hot(token_type_ids, T, dtype=jnp.float32)
    ids = input_ids.astype(jnp.int32)
    acc = None
    for i in range(NSLICE):
        w_i = _SC_GATHERS[i](ids, word_embeddings)
        acc = _tc_add_slice(i, w_i, position_embeddings,
                            token_type_embeddings, oh, acc)
    return acc.reshape(B, S, H)

# --- scband reference (transcript-rebuilt; emitter-appended) ---
"""Pipeline reference for scband-bert-embeddings-without-norm-78134045048905 (READ-ONLY COPY).

The authoritative reference and input builder live on the scoring server;
editing this copy changes nothing except your own understanding.
"""

import jax, jax.numpy as jnp
import numpy as np

B, S, H = 4, 2048, 1024
V, P, T = 100000, 8192, 2


def setup_inputs(seed: int = 0) -> dict:
    key = jax.random.key(seed)
    k1, k2, k3, k4, k5 = jax.random.split(key, 5)
    input_ids = jax.random.randint(k1, (B, S), 0, V)
    token_type_ids = jax.random.randint(k2, (B, S), 0, T)
    word_embeddings = jax.random.normal(k3, (V, H), dtype=jnp.float32) * 0.02
    # padding_idx=0 row is zero-initialized in torch nn.Embedding
    word_embeddings = word_embeddings.at[0].set(0.0)
    position_embeddings = jax.random.normal(k4, (P, H), dtype=jnp.float32) * 0.02
    token_type_embeddings = jax.random.normal(k5, (T, H), dtype=jnp.float32) * 0.02
    return {
        'input_ids': input_ids,
        'token_type_ids': token_type_ids,
        'word_embeddings': word_embeddings,
        'position_embeddings': position_embeddings,
        'token_type_embeddings': token_type_embeddings,
    }


def reference(input_ids, token_type_ids, word_embeddings, position_embeddings, token_type_embeddings):
    seq_length = input_ids.shape[1]
    # word embedding lookup (gather)
    inputs_embeds = jnp.take(word_embeddings, input_ids, axis=0)
    # position embeddings: position_ids = arange(seq_length) broadcast over batch
    position_ids = jnp.arange(seq_length)
    pos_embeds = jnp.take(position_embeddings, position_ids, axis=0)[None, :, :]
    # token type embedding lookup (gather)
    type_embeds = jnp.take(token_type_embeddings, token_type_ids, axis=0)
    embeddings = inputs_embeds + pos_embeds + type_embeds
    return embeddings

if __name__ == "__main__":
    import jax
    _d = setup_inputs()
    print(jax.jit(kernel)(*tuple(_d.values())))

</pallas_src>

<mosaic_0001>
#map = affine_map<(d0, d1) -> (0, 0)>
module attributes {stable_mosaic.version = 14 : i64} {
  func.func @_sc_gather(%arg0: i32, %arg1: i32, %arg2: memref<4x2048xi32, #tpu.memory_space<hbm>>, %arg3: memref<100000x1024xf32, #tpu.memory_space<hbm>>, %arg4: memref<2048x1024xf32, #tpu.memory_space<hbm>>, %arg5: memref<64xi32, #tpu.memory_space<vmem>>, %arg6: memref<3x32x1024xf32, #tpu.memory_space<vmem>>, %arg7: memref<!tpu.dma_semaphore, #tpu.memory_space<semaphore_mem>>, %arg8: memref<!tpu.dma_semaphore, #tpu.memory_space<semaphore_mem>>, %arg9: memref<!tpu.dma_semaphore, #tpu.memory_space<semaphore_mem>>, %arg10: memref<!tpu.dma_semaphore, #tpu.memory_space<semaphore_mem>>, %arg11: memref<!tpu.dma_semaphore, #tpu.memory_space<semaphore_mem>>, %arg12: memref<!tpu.dma_semaphore, #tpu.memory_space<semaphore_mem>>) attributes {dimension_semantics = [#tpu.dimension_semantics<core_parallel>, #tpu.dimension_semantics<subcore_parallel>], iteration_bounds = array<i64: 2, 16>, scalar_prefetch = 0 : i64, scratch_operands = 8 : i64, tpu.core_type = #tpu.core_type<sc_vector_subcore>, window_params = [{transform_indices = #map}, {transform_indices = #map}, {transform_indices = #map}]} {
    %mul3A = arith.constant 2 : i32
    %mul3A_0 = arith.muli %arg1, %mul3A : i32
    %add3A = arith.addi %mul3A_0, %arg0 : i32
    %jit3A = arith.constant 8 : i32
    %div3A = arith.divsi %add3A, %jit3A : i32
    %sign3A = arith.constant 0 : i32
    %sign3A_1 = arith.cmpi sgt, %add3A, %sign3A : i32
    %sign3A_2 = arith.extui %sign3A_1 : i1 to i32
    %sign3A_3 = arith.constant 0 : i32
    %sign3A_4 = arith.cmpi slt, %add3A, %sign3A_3 : i32
    %sign3A_5 = arith.extui %sign3A_4 : i1 to i32
    %sign3A_6 = arith.subi %sign3A_2, %sign3A_5 : i32
    %sign3A_7 = arith.constant 0 : i32
    %sign3A_8 = arith.cmpi sgt, %jit3A, %sign3A_7 : i32
    %sign3A_9 = arith.extui %sign3A_8 : i1 to i32
    %sign3A_10 = arith.constant 0 : i32
    %sign3A_11 = arith.cmpi slt, %jit3A, %sign3A_10 : i32
    %sign3A_12 = arith.extui %sign3A_11 : i1 to i32
    %sign3A_13 = arith.subi %sign3A_9, %sign3A_12 : i32
    %ne3A = arith.cmpi ne, %sign3A_6, %sign3A_13 : i32
    %rem3A = arith.remsi %add3A, %jit3A : i32
    %ne3A_14 = arith.constant 0 : i32
    %ne3A_15 = arith.cmpi ne, %rem3A, %ne3A_14 : i32
    %and3A = arith.andi %ne3A, %ne3A_15 : i1
    %sub3A = arith.constant 1 : i32
    %sub3A_16 = arith.subi %div3A, %sub3A : i32
    %select_n3A = arith.select %and3A, %sub3A_16, %div3A : i32
    %jit3A_17 = arith.constant 8 : i32
    %eq3A = arith.constant 0 : i32
    %eq3A_18 = arith.cmpi eq, %jit3A_17, %eq3A : i32
    %jit3A_19 = arith.constant 1 : i32
    %select_n3A_20 = arith.select %eq3A_18, %jit3A_19, %jit3A_17 : i32
    %rem3A_21 = arith.remsi %add3A, %select_n3A_20 : i32
    %ne3A_22 = arith.constant 0 : i32
    %ne3A_23 = arith.cmpi ne, %rem3A_21, %ne3A_22 : i32
    %lt3A = arith.constant 0 : i32
    %lt3A_24 = arith.cmpi slt, %rem3A_21, %lt3A : i32
    %lt3A_25 = arith.constant 0 : i32
    %lt3A_26 = arith.cmpi slt, %select_n3A_20, %lt3A_25 : i32
    %ne3A_27 = arith.xori %lt3A_24, %lt3A_26 : i1
    %and3A_28 = arith.andi %ne3A_27, %ne3A_23 : i1
    %add3A_29 = arith.addi %rem3A_21, %select_n3A_20 : i32
    %select_n3A_30 = arith.select %and3A_28, %add3A_29, %rem3A_21 : i32
    %mul3A_31 = arith.constant 64 : i32
    %mul3A_32 = arith.muli %select_n3A_30, %mul3A_31 : i32
    %add3A_33 = arith.constant 512 : i32
    %add3A_34 = arith.addi %add3A_33, %mul3A_32 : i32
    %mul3A_35 = arith.constant 512 : i32
    %mul3A_36 = arith.muli %select_n3A, %mul3A_35 : i32
    %add3A_37 = arith.addi %mul3A_36, %mul3A_32 : i32
    "tpu.region"() ({
      %run_scoped3A = tpu.sem_alloc : memref<!tpu.dma_semaphore, #tpu.memory_space<semaphore_mem>>
      %dma_start3A_132 = tpu.memref_slice %arg2[%select_n3A, %add3A_34] : memref<4x2048xi32, #tpu.memory_space<hbm>> -> memref<1x64xi32, #tpu.memory_space<hbm>>
      %dma_start3A_133 = tpu.memref_squeeze %dma_start3A_132 : memref<1x64xi32, #tpu.memory_space<hbm>> -> memref<64xi32, #tpu.memory_space<hbm>>
      %dma_start3A_134 = tpu.memref_slice %arg2[%select_n3A, %add3A_34] : memref<4x2048xi32, #tpu.memory_space<hbm>> -> memref<1x64xi32, #tpu.memory_space<hbm>>
      %dma_start3A_135 = tpu.memref_squeeze %dma_start3A_134 : memref<1x64xi32, #tpu.memory_space<hbm>> -> memref<64xi32, #tpu.memory_space<hbm>>
      tpu.enqueue_dma source(%dma_start3A_135 : memref<64xi32, #tpu.memory_space<hbm>>) target(%arg5 : memref<64xi32, #tpu.memory_space<vmem>>) target_semaphore(%run_scoped3A : memref<!tpu.dma_semaphore, #tpu.memory_space<semaphore_mem>>)
      %dma_wait3A_136 = tpu.memref_slice %arg2[%select_n3A, %add3A_34] : memref<4x2048xi32, #tpu.memory_space<hbm>> -> memref<1x64xi32, #tpu.memory_space<hbm>>
      %dma_wait3A_137 = tpu.memref_squeeze %dma_wait3A_136 : memref<1x64xi32, #tpu.memory_space<hbm>> -> memref<64xi32, #tpu.memory_space<hbm>>
      %dma_wait3A_138 = tpu.memref_slice %arg2[%select_n3A, %add3A_34] : memref<4x2048xi32, #tpu.memory_space<hbm>> -> memref<1x64xi32, #tpu.memory_space<hbm>>
      %dma_wait3A_139 = tpu.memref_squeeze %dma_wait3A_138 : memref<1x64xi32, #tpu.memory_space<hbm>> -> memref<64xi32, #tpu.memory_space<hbm>>
      tpu.wait_dma2 semaphore(%run_scoped3A : memref<!tpu.dma_semaphore, #tpu.memory_space<semaphore_mem>>) src(%dma_wait3A_139 : memref<64xi32, #tpu.memory_space<hbm>>) dst(%arg5 : memref<64xi32, #tpu.memory_space<vmem>>)
      tpu.yield
    }) : () -> ()
    %dma_start3A = arith.constant 0 : i32
    %dma_start3A_38 = arith.constant 0 : i32
    %dma_start3A_39 = arith.constant 0 : i32
    %dma_start3A_40 = tpu.memref_slice %arg6[%dma_start3A, %dma_start3A_38, %dma_start3A_39] : memref<3x32x1024xf32, #tpu.memory_space<vmem>> -> memref<1x32x1024xf32, #tpu.memory_space<vmem>>
    %dma_start3A_41 = tpu.memref_squeeze %dma_start3A_40 : memref<1x32x1024xf32, #tpu.memory_space<vmem>> -> memref<32x1024xf32, #tpu.memory_space<vmem>>
    %dma_start3A_42 = arith.constant 0 : i32
    %dma_start3A_43 = tpu.memref_slice %arg5[%dma_start3A_42] : memref<64xi32, #tpu.memory_space<vmem>> -> memref<32xi32, #tpu.memory_space<vmem>>
    %dma_start3A_44 = arith.constant 0 : i32
    %dma_start3A_45 = arith.constant 0 : i32
    %dma_start3A_46 = tpu.memref_slice %arg3[%dma_start3A_44, %dma_start3A_45] : memref<100000x1024xf32, #tpu.memory_space<hbm>> -> memref<100000x1024xf32, #tpu.memory_space<hbm>>
    tpu.enqueue_indirect_dma source(%dma_start3A_46 : memref<100000x1024xf32, #tpu.memory_space<hbm>>) target(%dma_start3A_41 : memref<32x1024xf32, #tpu.memory_space<vmem>>) offsets(%dma_start3A_43 : memref<32xi32, #tpu.memory_space<vmem>>) semaphore(%arg7 : memref<!tpu.dma_semaphore, #tpu.memory_space<semaphore_mem>>)
    %dma_start3A_47 = arith.constant 1 : i32
    %dma_start3A_48 = arith.constant 0 : i32
    %dma_start3A_49 = arith.constant 0 : i32
    %dma_start3A_50 = tpu.memref_slice %arg6[%dma_start3A_47, %dma_start3A_48, %dma_start3A_49] : memref<3x32x1024xf32, #tpu.memory_space<vmem>> -> memref<1x32x1024xf32, #tpu.memory_space<vmem>>
    %dma_start3A_51 = tpu.memref_squeeze %dma_start3A_50 : memref<1x32x1024xf32, #tpu.memory_space<vmem>> -> memref<32x1024xf32, #tpu.memory_space<vmem>>
    %dma_start3A_52 = arith.constant 32 : i32
    %dma_start3A_53 = tpu.memref_slice %arg5[%dma_start3A_52] : memref<64xi32, #tpu.memory_space<vmem>> -> memref<32xi32, #tpu.memory_space<vmem>>
    %dma_start3A_54 = arith.constant 0 : i32
    %dma_start3A_55 = arith.constant 0 : i32
    %dma_start3A_56 = tpu.memref_slice %arg3[%dma_start3A_54, %dma_start3A_55] : memref<100000x1024xf32, #tpu.memory_space<hbm>> -> memref<100000x1024xf32, #tpu.memory_space<hbm>>
    tpu.enqueue_indirect_dma source(%dma_start3A_56 : memref<100000x1024xf32, #tpu.memory_space<hbm>>) target(%dma_start3A_51 : memref<32x1024xf32, #tpu.memory_space<vmem>>) offsets(%dma_start3A_53 : memref<32xi32, #tpu.memory_space<vmem>>) semaphore(%arg8 : memref<!tpu.dma_semaphore, #tpu.memory_space<semaphore_mem>>)
    %dma_wait3A = arith.constant 0 : i32
    %dma_wait3A_57 = arith.constant 0 : i32
    %dma_wait3A_58 = arith.constant 0 : i32
    %dma_wait3A_59 = tpu.memref_slice %arg6[%dma_wait3A, %dma_wait3A_57, %dma_wait3A_58] : memref<3x32x1024xf32, #tpu.memory_space<vmem>> -> memref<1x32x1024xf32, #tpu.memory_space<vmem>>
    %dma_wait3A_60 = tpu.memref_squeeze %dma_wait3A_59 : memref<1x32x1024xf32, #tpu.memory_space<vmem>> -> memref<32x1024xf32, #tpu.memory_space<vmem>>
    %dma_wait3A_61 = arith.constant 0 : i32
    %dma_wait3A_62 = tpu.memref_slice %arg5[%dma_wait3A_61] : memref<64xi32, #tpu.memory_space<vmem>> -> memref<32xi32, #tpu.memory_space<vmem>>
    %dma_wait3A_63 = arith.constant 0 : i32
    %dma_wait3A_64 = arith.constant 0 : i32
    %dma_wait3A_65 = tpu.memref_slice %arg3[%dma_wait3A_63, %dma_wait3A_64] : memref<100000x1024xf32, #tpu.memory_space<hbm>> -> memref<100000x1024xf32, #tpu.memory_space<hbm>>
    tpu.wait_indirect_dma semaphore(%arg7 : memref<!tpu.dma_semaphore, #tpu.memory_space<semaphore_mem>>) src(%dma_wait3A_65 : memref<100000x1024xf32, #tpu.memory_space<hbm>>) dst(%dma_wait3A_60 : memref<32x1024xf32, #tpu.memory_space<vmem>>)
    %add3A_66 = arith.constant 0 : i32
    %add3A_67 = arith.addi %add3A_37, %add3A_66 : i32
    %dma_start3A_68 = arith.constant 0 : i32
    %dma_start3A_69 = arith.constant 0 : i32
    %dma_start3A_70 = arith.constant 0 : i32
    %dma_start3A_71 = tpu.memref_slice %arg6[%dma_start3A_68, %dma_start3A_69, %dma_start3A_70] : memref<3x32x1024xf32, #tpu.memory_space<vmem>> -> memref<1x32x1024xf32, #tpu.memory_space<vmem>>
    %dma_start3A_72 = tpu.memref_squeeze %dma_start3A_71 : memref<1x32x1024xf32, #tpu.memory_space<vmem>> -> memref<32x1024xf32, #tpu.memory_space<vmem>>
    %dma_start3A_73 = arith.constant 0 : i32
    %dma_start3A_74 = tpu.memref_slice %arg4[%add3A_67, %dma_start3A_73] : memref<2048x1024xf32, #tpu.memory_space<hbm>> -> memref<32x1024xf32, #tpu.memory_space<hbm>>
    %dma_start3A_75 = arith.constant 0 : i32
    %dma_start3A_76 = tpu.memref_slice %arg4[%add3A_67, %dma_start3A_75] : memref<2048x1024xf32, #tpu.memory_space<hbm>> -> memref<32x1024xf32, #tpu.memory_space<hbm>>
    %dma_start3A_77 = arith.constant 0 : i32
    %dma_start3A_78 = arith.constant 0 : i32
    %dma_start3A_79 = tpu.memref_slice %arg6[%dma_start3A_68, %dma_start3A_77, %dma_start3A_78] : memref<3x32x1024xf32, #tpu.memory_space<vmem>> -> memref<1x32x1024xf32, #tpu.memory_space<vmem>>
    %dma_start3A_80 = tpu.memref_squeeze %dma_start3A_79 : memref<1x32x1024xf32, #tpu.memory_space<vmem>> -> memref<32x1024xf32, #tpu.memory_space<vmem>>
    tpu.enqueue_dma source(%dma_start3A_80 : memref<32x1024xf32, #tpu.memory_space<vmem>>) target(%dma_start3A_76 : memref<32x1024xf32, #tpu.memory_space<hbm>>) target_semaphore(%arg10 : memref<!tpu.dma_semaphore, #tpu.memory_space<semaphore_mem>>)
    %dma_wait3A_81 = arith.constant 1 : i32
    %dma_wait3A_82 = arith.constant 0 : i32
    %dma_wait3A_83 = arith.constant 0 : i32
    %dma_wait3A_84 = tpu.memref_slice %arg6[%dma_wait3A_81, %dma_wait3A_82, %dma_wait3A_83] : memref<3x32x1024xf32, #tpu.memory_space<vmem>> -> memref<1x32x1024xf32, #tpu.memory_space<vmem>>
    %dma_wait3A_85 = tpu.memref_squeeze %dma_wait3A_84 : memref<1x32x1024xf32, #tpu.memory_space<vmem>> -> memref<32x1024xf32, #tpu.memory_space<vmem>>
    %dma_wait3A_86 = arith.constant 32 : i32
    %dma_wait3A_87 = tpu.memref_slice %arg5[%dma_wait3A_86] : memref<64xi32, #tpu.memory_space<vmem>> -> memref<32xi32, #tpu.memory_space<vmem>>
    %dma_wait3A_88 = arith.constant 0 : i32
    %dma_wait3A_89 = arith.constant 0 : i32
    %dma_wait3A_90 = tpu.memref_slice %arg3[%dma_wait3A_88, %dma_wait3A_89] : memref<100000x1024xf32, #tpu.memory_space<hbm>> -> memref<100000x1024xf32, #tpu.memory_space<hbm>>
    tpu.wait_indirect_dma semaphore(%arg8 : memref<!tpu.dma_semaphore, #tpu.memory_space<semaphore_mem>>) src(%dma_wait3A_90 : memref<100000x1024xf32, #tpu.memory_space<hbm>>) dst(%dma_wait3A_85 : memref<32x1024xf32, #tpu.memory_space<vmem>>)
    %add3A_91 = arith.constant 32 : i32
    %add3A_92 = arith.addi %add3A_37, %add3A_91 : i32
    %dma_start3A_93 = arith.constant 1 : i32
    %dma_start3A_94 = arith.constant 0 : i32
    %dma_start3A_95 = arith.constant 0 : i32
    %dma_start3A_96 = tpu.memref_slice %arg6[%dma_start3A_93, %dma_start3A_94, %dma_start3A_95] : memref<3x32x1024xf32, #tpu.memory_space<vmem>> -> memref<1x32x1024xf32, #tpu.memory_space<vmem>>
    %dma_start3A_97 = tpu.memref_squeeze %dma_start3A_96 : memref<1x32x1024xf32, #tpu.memory_space<vmem>> -> memref<32x1024xf32, #tpu.memory_space<vmem>>
    %dma_start3A_98 = arith.constant 0 : i32
    %dma_start3A_99 = tpu.memref_slice %arg4[%add3A_92, %dma_start3A_98] : memref<2048x1024xf32, #tpu.memory_space<hbm>> -> memref<32x1024xf32, #tpu.memory_space<hbm>>
    %dma_start3A_100 = arith.constant 0 : i32
    %dma_start3A_101 = tpu.memref_slice %arg4[%add3A_92, %dma_start3A_100] : memref<2048x1024xf32, #tpu.memory_space<hbm>> -> memref<32x1024xf32, #tpu.memory_space<hbm>>
    %dma_start3A_102 = arith.constant 0 : i32
    %dma_start3A_103 = arith.constant 0 : i32
    %dma_start3A_104 = tpu.memref_slice %arg6[%dma_start3A_93, %dma_start3A_102, %dma_start3A_103] : memref<3x32x1024xf32, #tpu.memory_space<vmem>> -> memref<1x32x1024xf32, #tpu.memory_space<vmem>>
    %dma_start3A_105 = tpu.memref_squeeze %dma_start3A_104 : memref<1x32x1024xf32, #tpu.memory_space<vmem>> -> memref<32x1024xf32, #tpu.memory_space<vmem>>
    tpu.enqueue_dma source(%dma_start3A_105 : memref<32x1024xf32, #tpu.memory_space<vmem>>) target(%dma_start3A_101 : memref<32x1024xf32, #tpu.memory_space<hbm>>) target_semaphore(%arg11 : memref<!tpu.dma_semaphore, #tpu.memory_space<semaphore_mem>>)
    %dma_wait3A_106 = arith.constant 0 : i32
    %dma_wait3A_107 = arith.constant 0 : i32
    %dma_wait3A_108 = arith.constant 0 : i32
    %dma_wait3A_109 = tpu.memref_slice %arg6[%dma_wait3A_106, %dma_wait3A_107, %dma_wait3A_108] : memref<3x32x1024xf32, #tpu.memory_space<vmem>> -> memref<1x32x1024xf32, #tpu.memory_space<vmem>>
    %dma_wait3A_110 = tpu.memref_squeeze %dma_wait3A_109 : memref<1x32x1024xf32, #tpu.memory_space<vmem>> -> memref<32x1024xf32, #tpu.memory_space<vmem>>
    %dma_wait3A_111 = arith.constant 0 : i32
    %dma_wait3A_112 = tpu.memref_slice %arg4[%add3A_67, %dma_wait3A_111] : memref<2048x1024xf32, #tpu.memory_space<hbm>> -> memref<32x1024xf32, #tpu.memory_space<hbm>>
    %dma_wait3A_113 = arith.constant 0 : i32
    %dma_wait3A_114 = tpu.memref_slice %arg4[%add3A_67, %dma_wait3A_113] : memref<2048x1024xf32, #tpu.memory_space<hbm>> -> memref<32x1024xf32, #tpu.memory_space<hbm>>
    %dma_wait3A_115 = arith.constant 0 : i32
    %dma_wait3A_116 = arith.constant 0 : i32
    %dma_wait3A_117 = tpu.memref_slice %arg6[%dma_wait3A_106, %dma_wait3A_115, %dma_wait3A_116] : memref<3x32x1024xf32, #tpu.memory_space<vmem>> -> memref<1x32x1024xf32, #tpu.memory_space<vmem>>
    %dma_wait3A_118 = tpu.memref_squeeze %dma_wait3A_117 : memref<1x32x1024xf32, #tpu.memory_space<vmem>> -> memref<32x1024xf32, #tpu.memory_space<vmem>>
    tpu.wait_dma2 semaphore(%arg10 : memref<!tpu.dma_semaphore, #tpu.memory_space<semaphore_mem>>) src(%dma_wait3A_118 : memref<32x1024xf32, #tpu.memory_space<vmem>>) dst(%dma_wait3A_114 : memref<32x1024xf32, #tpu.memory_space<hbm>>)
    %dma_wait3A_119 = arith.constant 1 : i32
    %dma_wait3A_120 = arith.constant 0 : i32
    %dma_wait3A_121 = arith.constant 0 : i32
    %dma_wait3A_122 = tpu.memref_slice %arg6[%dma_wait3A_119, %dma_wait3A_120, %dma_wait3A_121] : memref<3x32x1024xf32, #tpu.memory_space<vmem>> -> memref<1x32x1024xf32, #tpu.memory_space<vmem>>
    %dma_wait3A_123 = tpu.memref_squeeze %dma_wait3A_122 : memref<1x32x1024xf32, #tpu.memory_space<vmem>> -> memref<32x1024xf32, #tpu.memory_space<vmem>>
    %dma_wait3A_124 = arith.constant 0 : i32
    %dma_wait3A_125 = tpu.memref_slice %arg4[%add3A_92, %dma_wait3A_124] : memref<2048x1024xf32, #tpu.memory_space<hbm>> -> memref<32x1024xf32, #tpu.memory_space<hbm>>
    %dma_wait3A_126 = arith.constant 0 : i32
    %dma_wait3A_127 = tpu.memref_slice %arg4[%add3A_92, %dma_wait3A_126] : memref<2048x1024xf32, #tpu.memory_space<hbm>> -> memref<32x1024xf32, #tpu.memory_space<hbm>>
    %dma_wait3A_128 = arith.constant 0 : i32
    %dma_wait3A_129 = arith.constant 0 : i32
    %dma_wait3A_130 = tpu.memref_slice %arg6[%dma_wait3A_119, %dma_wait3A_128, %dma_wait3A_129] : memref<3x32x1024xf32, #tpu.memory_space<vmem>> -> memref<1x32x1024xf32, #tpu.memory_space<vmem>>
    %dma_wait3A_131 = tpu.memref_squeeze %dma_wait3A_130 : memref<1x32x1024xf32, #tpu.memory_space<vmem>> -> memref<32x1024xf32, #tpu.memory_space<vmem>>
    tpu.wait_dma2 semaphore(%arg11 : memref<!tpu.dma_semaphore, #tpu.memory_space<semaphore_mem>>) src(%dma_wait3A_131 : memref<32x1024xf32, #tpu.memory_space<vmem>>) dst(%dma_wait3A_127 : memref<32x1024xf32, #tpu.memory_space<hbm>>)
    return
  }
}

#map = affine_map<(d0, d1) -> (0, 0)>
module attributes {stable_mosaic.version = 14 : i64} {
  func.func @_sc_gather(%arg0: i32, %arg1: i32, %arg2: memref<4x2048xi32, #tpu.memory_space<hbm>>, %arg3: memref<100000x1024xf32, #tpu.memory_space<hbm>>, %arg4: memref<2048x1024xf32, #tpu.memory_space<hbm>>, %arg5: memref<64xi32, #tpu.memory_space<vmem>>, %arg6: memref<3x32x1024xf32, #tpu.memory_space<vmem>>, %arg7: memref<!tpu.dma_semaphore, #tpu.memory_space<semaphore_mem>>, %arg8: memref<!tpu.dma_semaphore, #tpu.memory_space<semaphore_mem>>, %arg9: memref<!tpu.dma_semaphore, #tpu.memory_space<semaphore_mem>>, %arg10: memref<!tpu.dma_semaphore, #tpu.memory_space<semaphore_mem>>, %arg11: memref<!tpu.dma_semaphore, #tpu.memory_space<semaphore_mem>>, %arg12: memref<!tpu.dma_semaphore, #tpu.memory_space<semaphore_mem>>) attributes {dimension_semantics = [#tpu.dimension_semantics<core_parallel>, #tpu.dimension_semantics<subcore_parallel>], iteration_bounds = array<i64: 2, 16>, scalar_prefetch = 0 : i64, scratch_operands = 8 : i64, tpu.core_type = #tpu.core_type<sc_vector_subcore>, window_params = [{transform_indices = #map}, {transform_indices = #map}, {transform_indices = #map}]} {
    %mul3A = arith.constant 2 : i32
    %mul3A_0 = arith.muli %arg1, %mul3A : i32
    %add3A = arith.addi %mul3A_0, %arg0 : i32
    %jit3A = arith.constant 8 : i32
    %div3A = arith.divsi %add3A, %jit3A : i32
    %sign3A = arith.constant 0 : i32
    %sign3A_1 = arith.cmpi sgt, %add3A, %sign3A : i32
    %sign3A_2 = arith.extui %sign3A_1 : i1 to i32
    %sign3A_3 = arith.constant 0 : i32
    %sign3A_4 = arith.cmpi slt, %add3A, %sign3A_3 : i32
    %sign3A_5 = arith.extui %sign3A_4 : i1 to i32
    %sign3A_6 = arith.subi %sign3A_2, %sign3A_5 : i32
    %sign3A_7 = arith.constant 0 : i32
    %sign3A_8 = arith.cmpi sgt, %jit3A, %sign3A_7 : i32
    %sign3A_9 = arith.extui %sign3A_8 : i1 to i32
    %sign3A_10 = arith.constant 0 : i32
    %sign3A_11 = arith.cmpi slt, %jit3A, %sign3A_10 : i32
    %sign3A_12 = arith.extui %sign3A_11 : i1 to i32
    %sign3A_13 = arith.subi %sign3A_9, %sign3A_12 : i32
    %ne3A = arith.cmpi ne, %sign3A_6, %sign3A_13 : i32
    %rem3A = arith.remsi %add3A, %jit3A : i32
    %ne3A_14 = arith.constant 0 : i32
    %ne3A_15 = arith.cmpi ne, %rem3A, %ne3A_14 : i32
    %and3A = arith.andi %ne3A, %ne3A_15 : i1
    %sub3A = arith.constant 1 : i32
    %sub3A_16 = arith.subi %div3A, %sub3A : i32
    %select_n3A = arith.select %and3A, %sub3A_16, %div3A : i32
    %jit3A_17 = arith.constant 8 : i32
    %eq3A = arith.constant 0 : i32
    %eq3A_18 = arith.cmpi eq, %jit3A_17, %eq3A : i32
    %jit3A_19 = arith.constant 1 : i32
    %select_n3A_20 = arith.select %eq3A_18, %jit3A_19, %jit3A_17 : i32
    %rem3A_21 = arith.remsi %add3A, %select_n3A_20 : i32
    %ne3A_22 = arith.constant 0 : i32
    %ne3A_23 = arith.cmpi ne, %rem3A_21, %ne3A_22 : i32
    %lt3A = arith.constant 0 : i32
    %lt3A_24 = arith.cmpi slt, %rem3A_21, %lt3A : i32
    %lt3A_25 = arith.constant 0 : i32
    %lt3A_26 = arith.cmpi slt, %select_n3A_20, %lt3A_25 : i32
    %ne3A_27 = arith.xori %lt3A_24, %lt3A_26 : i1
    %and3A_28 = arith.andi %ne3A_27, %ne3A_23 : i1
    %add3A_29 = arith.addi %rem3A_21, %select_n3A_20 : i32
    %select_n3A_30 = arith.select %and3A_28, %add3A_29, %rem3A_21 : i32
    %mul3A_31 = arith.constant 64 : i32
    %mul3A_32 = arith.muli %select_n3A_30, %mul3A_31 : i32
    %add3A_33 = arith.constant 0 : i32
    %add3A_34 = arith.addi %add3A_33, %mul3A_32 : i32
    %mul3A_35 = arith.constant 512 : i32
    %mul3A_36 = arith.muli %select_n3A, %mul3A_35 : i32
    %add3A_37 = arith.addi %mul3A_36, %mul3A_32 : i32
    "tpu.region"() ({
      %run_scoped3A = tpu.sem_alloc : memref<!tpu.dma_semaphore, #tpu.memory_space<semaphore_mem>>
      %dma_start3A_132 = tpu.memref_slice %arg2[%select_n3A, %add3A_34] : memref<4x2048xi32, #tpu.memory_space<hbm>> -> memref<1x64xi32, #tpu.memory_space<hbm>>
      %dma_start3A_133 = tpu.memref_squeeze %dma_start3A_132 : memref<1x64xi32, #tpu.memory_space<hbm>> -> memref<64xi32, #tpu.memory_space<hbm>>
      %dma_start3A_134 = tpu.memref_slice %arg2[%select_n3A, %add3A_34] : memref<4x2048xi32, #tpu.memory_space<hbm>> -> memref<1x64xi32, #tpu.memory_space<hbm>>
      %dma_start3A_135 = tpu.memref_squeeze %dma_start3A_134 : memref<1x64xi32, #tpu.memory_space<hbm>> -> memref<64xi32, #tpu.memory_space<hbm>>
      tpu.enqueue_dma source(%dma_start3A_135 : memref<64xi32, #tpu.memory_space<hbm>>) target(%arg5 : memref<64xi32, #tpu.memory_space<vmem>>) target_semaphore(%run_scoped3A : memref<!tpu.dma_semaphore, #tpu.memory_space<semaphore_mem>>)
      %dma_wait3A_136 = tpu.memref_slice %arg2[%select_n3A, %add3A_34] : memref<4x2048xi32, #tpu.memory_space<hbm>> -> memref<1x64xi32, #tpu.memory_space<hbm>>
      %dma_wait3A_137 = tpu.memref_squeeze %dma_wait3A_136 : memref<1x64xi32, #tpu.memory_space<hbm>> -> memref<64xi32, #tpu.memory_space<hbm>>
      %dma_wait3A_138 = tpu.memref_slice %arg2[%select_n3A, %add3A_34] : memref<4x2048xi32, #tpu.memory_space<hbm>> -> memref<1x64xi32, #tpu.memory_space<hbm>>
      %dma_wait3A_139 = tpu.memref_squeeze %dma_wait3A_138 : memref<1x64xi32, #tpu.memory_space<hbm>> -> memref<64xi32, #tpu.memory_space<hbm>>
      tpu.wait_dma2 semaphore(%run_scoped3A : memref<!tpu.dma_semaphore, #tpu.memory_space<semaphore_mem>>) src(%dma_wait3A_139 : memref<64xi32, #tpu.memory_space<hbm>>) dst(%arg5 : memref<64xi32, #tpu.memory_space<vmem>>)
      tpu.yield
    }) : () -> ()
    %dma_start3A = arith.constant 0 : i32
    %dma_start3A_38 = arith.constant 0 : i32
    %dma_start3A_39 = arith.constant 0 : i32
    %dma_start3A_40 = tpu.memref_slice %arg6[%dma_start3A, %dma_start3A_38, %dma_start3A_39] : memref<3x32x1024xf32, #tpu.memory_space<vmem>> -> memref<1x32x1024xf32, #tpu.memory_space<vmem>>
    %dma_start3A_41 = tpu.memref_squeeze %dma_start3A_40 : memref<1x32x1024xf32, #tpu.memory_space<vmem>> -> memref<32x1024xf32, #tpu.memory_space<vmem>>
    %dma_start3A_42 = arith.constant 0 : i32
    %dma_start3A_43 = tpu.memref_slice %arg5[%dma_start3A_42] : memref<64xi32, #tpu.memory_space<vmem>> -> memref<32xi32, #tpu.memory_space<vmem>>
    %dma_start3A_44 = arith.constant 0 : i32
    %dma_start3A_45 = arith.constant 0 : i32
    %dma_start3A_46 = tpu.memref_slice %arg3[%dma_start3A_44, %dma_start3A_45] : memref<100000x1024xf32, #tpu.memory_space<hbm>> -> memref<100000x1024xf32, #tpu.memory_space<hbm>>
    tpu.enqueue_indirect_dma source(%dma_start3A_46 : memref<100000x1024xf32, #tpu.memory_space<hbm>>) target(%dma_start3A_41 : memref<32x1024xf32, #tpu.memory_space<vmem>>) offsets(%dma_start3A_43 : memref<32xi32, #tpu.memory_space<vmem>>) semaphore(%arg7 : memref<!tpu.dma_semaphore, #tpu.memory_space<semaphore_mem>>)
    %dma_start3A_47 = arith.constant 1 : i32
    %dma_start3A_48 = arith.constant 0 : i32
    %dma_start3A_49 = arith.constant 0 : i32
    %dma_start3A_50 = tpu.memref_slice %arg6[%dma_start3A_47, %dma_start3A_48, %dma_start3A_49] : memref<3x32x1024xf32, #tpu.memory_space<vmem>> -> memref<1x32x1024xf32, #tpu.memory_space<vmem>>
    %dma_start3A_51 = tpu.memref_squeeze %dma_start3A_50 : memref<1x32x1024xf32, #tpu.memory_space<vmem>> -> memref<32x1024xf32, #tpu.memory_space<vmem>>
    %dma_start3A_52 = arith.constant 32 : i32
    %dma_start3A_53 = tpu.memref_slice %arg5[%dma_start3A_52] : memref<64xi32, #tpu.memory_space<vmem>> -> memref<32xi32, #tpu.memory_space<vmem>>
    %dma_start3A_54 = arith.constant 0 : i32
    %dma_start3A_55 = arith.constant 0 : i32
    %dma_start3A_56 = tpu.memref_slice %arg3[%dma_start3A_54, %dma_start3A_55] : memref<100000x1024xf32, #tpu.memory_space<hbm>> -> memref<100000x1024xf32, #tpu.memory_space<hbm>>
    tpu.enqueue_indirect_dma source(%dma_start3A_56 : memref<100000x1024xf32, #tpu.memory_space<hbm>>) target(%dma_start3A_51 : memref<32x1024xf32, #tpu.memory_space<vmem>>) offsets(%dma_start3A_53 : memref<32xi32, #tpu.memory_space<vmem>>) semaphore(%arg8 : memref<!tpu.dma_semaphore, #tpu.memory_space<semaphore_mem>>)
    %dma_wait3A = arith.constant 0 : i32
    %dma_wait3A_57 = arith.constant 0 : i32
    %dma_wait3A_58 = arith.constant 0 : i32
    %dma_wait3A_59 = tpu.memref_slice %arg6[%dma_wait3A, %dma_wait3A_57, %dma_wait3A_58] : memref<3x32x1024xf32, #tpu.memory_space<vmem>> -> memref<1x32x1024xf32, #tpu.memory_space<vmem>>
    %dma_wait3A_60 = tpu.memref_squeeze %dma_wait3A_59 : memref<1x32x1024xf32, #tpu.memory_space<vmem>> -> memref<32x1024xf32, #tpu.memory_space<vmem>>
    %dma_wait3A_61 = arith.constant 0 : i32
    %dma_wait3A_62 = tpu.memref_slice %arg5[%dma_wait3A_61] : memref<64xi32, #tpu.memory_space<vmem>> -> memref<32xi32, #tpu.memory_space<vmem>>
    %dma_wait3A_63 = arith.constant 0 : i32
    %dma_wait3A_64 = arith.constant 0 : i32
    %dma_wait3A_65 = tpu.memref_slice %arg3[%dma_wait3A_63, %dma_wait3A_64] : memref<100000x1024xf32, #tpu.memory_space<hbm>> -> memref<100000x1024xf32, #tpu.memory_space<hbm>>
    tpu.wait_indirect_dma semaphore(%arg7 : memref<!tpu.dma_semaphore, #tpu.memory_space<semaphore_mem>>) src(%dma_wait3A_65 : memref<100000x1024xf32, #tpu.memory_space<hbm>>) dst(%dma_wait3A_60 : memref<32x1024xf32, #tpu.memory_space<vmem>>)
    %add3A_66 = arith.constant 0 : i32
    %add3A_67 = arith.addi %add3A_37, %add3A_66 : i32
    %dma_start3A_68 = arith.constant 0 : i32
    %dma_start3A_69 = arith.constant 0 : i32
    %dma_start3A_70 = arith.constant 0 : i32
    %dma_start3A_71 = tpu.memref_slice %arg6[%dma_start3A_68, %dma_start3A_69, %dma_start3A_70] : memref<3x32x1024xf32, #tpu.memory_space<vmem>> -> memref<1x32x1024xf32, #tpu.memory_space<vmem>>
    %dma_start3A_72 = tpu.memref_squeeze %dma_start3A_71 : memref<1x32x1024xf32, #tpu.memory_space<vmem>> -> memref<32x1024xf32, #tpu.memory_space<vmem>>
    %dma_start3A_73 = arith.constant 0 : i32
    %dma_start3A_74 = tpu.memref_slice %arg4[%add3A_67, %dma_start3A_73] : memref<2048x1024xf32, #tpu.memory_space<hbm>> -> memref<32x1024xf32, #tpu.memory_space<hbm>>
    %dma_start3A_75 = arith.constant 0 : i32
    %dma_start3A_76 = tpu.memref_slice %arg4[%add3A_67, %dma_start3A_75] : memref<2048x1024xf32, #tpu.memory_space<hbm>> -> memref<32x1024xf32, #tpu.memory_space<hbm>>
    %dma_start3A_77 = arith.constant 0 : i32
    %dma_start3A_78 = arith.constant 0 : i32
    %dma_start3A_79 = tpu.memref_slice %arg6[%dma_start3A_68, %dma_start3A_77, %dma_start3A_78] : memref<3x32x1024xf32, #tpu.memory_space<vmem>> -> memref<1x32x1024xf32, #tpu.memory_space<vmem>>
    %dma_start3A_80 = tpu.memref_squeeze %dma_start3A_79 : memref<1x32x1024xf32, #tpu.memory_space<vmem>> -> memref<32x1024xf32, #tpu.memory_space<vmem>>
    tpu.enqueue_dma source(%dma_start3A_80 : memref<32x1024xf32, #tpu.memory_space<vmem>>) target(%dma_start3A_76 : memref<32x1024xf32, #tpu.memory_space<hbm>>) target_semaphore(%arg10 : memref<!tpu.dma_semaphore, #tpu.memory_space<semaphore_mem>>)
    %dma_wait3A_81 = arith.constant 1 : i32
    %dma_wait3A_82 = arith.constant 0 : i32
    %dma_wait3A_83 = arith.constant 0 : i32
    %dma_wait3A_84 = tpu.memref_slice %arg6[%dma_wait3A_81, %dma_wait3A_82, %dma_wait3A_83] : memref<3x32x1024xf32, #tpu.memory_space<vmem>> -> memref<1x32x1024xf32, #tpu.memory_space<vmem>>
    %dma_wait3A_85 = tpu.memref_squeeze %dma_wait3A_84 : memref<1x32x1024xf32, #tpu.memory_space<vmem>> -> memref<32x1024xf32, #tpu.memory_space<vmem>>
    %dma_wait3A_86 = arith.constant 32 : i32
    %dma_wait3A_87 = tpu.memref_slice %arg5[%dma_wait3A_86] : memref<64xi32, #tpu.memory_space<vmem>> -> memref<32xi32, #tpu.memory_space<vmem>>
    %dma_wait3A_88 = arith.constant 0 : i32
    %dma_wait3A_89 = arith.constant 0 : i32
    %dma_wait3A_90 = tpu.memref_slice %arg3[%dma_wait3A_88, %dma_wait3A_89] : memref<100000x1024xf32, #tpu.memory_space<hbm>> -> memref<100000x1024xf32, #tpu.memory_space<hbm>>
    tpu.wait_indirect_dma semaphore(%arg8 : memref<!tpu.dma_semaphore, #tpu.memory_space<semaphore_mem>>) src(%dma_wait3A_90 : memref<100000x1024xf32, #tpu.memory_space<hbm>>) dst(%dma_wait3A_85 : memref<32x1024xf32, #tpu.memory_space<vmem>>)
    %add3A_91 = arith.constant 32 : i32
    %add3A_92 = arith.addi %add3A_37, %add3A_91 : i32
    %dma_start3A_93 = arith.constant 1 : i32
    %dma_start3A_94 = arith.constant 0 : i32
    %dma_start3A_95 = arith.constant 0 : i32
    %dma_start3A_96 = tpu.memref_slice %arg6[%dma_start3A_93, %dma_start3A_94, %dma_start3A_95] : memref<3x32x1024xf32, #tpu.memory_space<vmem>> -> memref<1x32x1024xf32, #tpu.memory_space<vmem>>
    %dma_start3A_97 = tpu.memref_squeeze %dma_start3A_96 : memref<1x32x1024xf32, #tpu.memory_space<vmem>> -> memref<32x1024xf32, #tpu.memory_space<vmem>>
    %dma_start3A_98 = arith.constant 0 : i32
    %dma_start3A_99 = tpu.memref_slice %arg4[%add3A_92, %dma_start3A_98] : memref<2048x1024xf32, #tpu.memory_space<hbm>> -> memref<32x1024xf32, #tpu.memory_space<hbm>>
    %dma_start3A_100 = arith.constant 0 : i32
    %dma_start3A_101 = tpu.memref_slice %arg4[%add3A_92, %dma_start3A_100] : memref<2048x1024xf32, #tpu.memory_space<hbm>> -> memref<32x1024xf32, #tpu.memory_space<hbm>>
    %dma_start3A_102 = arith.constant 0 : i32
    %dma_start3A_103 = arith.constant 0 : i32
    %dma_start3A_104 = tpu.memref_slice %arg6[%dma_start3A_93, %dma_start3A_102, %dma_start3A_103] : memref<3x32x1024xf32, #tpu.memory_space<vmem>> -> memref<1x32x1024xf32, #tpu.memory_space<vmem>>
    %dma_start3A_105 = tpu.memref_squeeze %dma_start3A_104 : memref<1x32x1024xf32, #tpu.memory_space<vmem>> -> memref<32x1024xf32, #tpu.memory_space<vmem>>
    tpu.enqueue_dma source(%dma_start3A_105 : memref<32x1024xf32, #tpu.memory_space<vmem>>) target(%dma_start3A_101 : memref<32x1024xf32, #tpu.memory_space<hbm>>) target_semaphore(%arg11 : memref<!tpu.dma_semaphore, #tpu.memory_space<semaphore_mem>>)
    %dma_wait3A_106 = arith.constant 0 : i32
    %dma_wait3A_107 = arith.constant 0 : i32
    %dma_wait3A_108 = arith.constant 0 : i32
    %dma_wait3A_109 = tpu.memref_slice %arg6[%dma_wait3A_106, %dma_wait3A_107, %dma_wait3A_108] : memref<3x32x1024xf32, #tpu.memory_space<vmem>> -> memref<1x32x1024xf32, #tpu.memory_space<vmem>>
    %dma_wait3A_110 = tpu.memref_squeeze %dma_wait3A_109 : memref<1x32x1024xf32, #tpu.memory_space<vmem>> -> memref<32x1024xf32, #tpu.memory_space<vmem>>
    %dma_wait3A_111 = arith.constant 0 : i32
    %dma_wait3A_112 = tpu.memref_slice %arg4[%add3A_67, %dma_wait3A_111] : memref<2048x1024xf32, #tpu.memory_space<hbm>> -> memref<32x1024xf32, #tpu.memory_space<hbm>>
    %dma_wait3A_113 = arith.constant 0 : i32
    %dma_wait3A_114 = tpu.memref_slice %arg4[%add3A_67, %dma_wait3A_113] : memref<2048x1024xf32, #tpu.memory_space<hbm>> -> memref<32x1024xf32, #tpu.memory_space<hbm>>
    %dma_wait3A_115 = arith.constant 0 : i32
    %dma_wait3A_116 = arith.constant 0 : i32
    %dma_wait3A_117 = tpu.memref_slice %arg6[%dma_wait3A_106, %dma_wait3A_115, %dma_wait3A_116] : memref<3x32x1024xf32, #tpu.memory_space<vmem>> -> memref<1x32x1024xf32, #tpu.memory_space<vmem>>
    %dma_wait3A_118 = tpu.memref_squeeze %dma_wait3A_117 : memref<1x32x1024xf32, #tpu.memory_space<vmem>> -> memref<32x1024xf32, #tpu.memory_space<vmem>>
    tpu.wait_dma2 semaphore(%arg10 : memref<!tpu.dma_semaphore, #tpu.memory_space<semaphore_mem>>) src(%dma_wait3A_118 : memref<32x1024xf32, #tpu.memory_space<vmem>>) dst(%dma_wait3A_114 : memref<32x1024xf32, #tpu.memory_space<hbm>>)
    %dma_wait3A_119 = arith.constant 1 : i32
    %dma_wait3A_120 = arith.constant 0 : i32
    %dma_wait3A_121 = arith.constant 0 : i32
    %dma_wait3A_122 = tpu.memref_slice %arg6[%dma_wait3A_119, %dma_wait3A_120, %dma_wait3A_121] : memref<3x32x1024xf32, #tpu.memory_space<vmem>> -> memref<1x32x1024xf32, #tpu.memory_space<vmem>>
    %dma_wait3A_123 = tpu.memref_squeeze %dma_wait3A_122 : memref<1x32x1024xf32, #tpu.memory_space<vmem>> -> memref<32x1024xf32, #tpu.memory_space<vmem>>
    %dma_wait3A_124 = arith.constant 0 : i32
    %dma_wait3A_125 = tpu.memref_slice %arg4[%add3A_92, %dma_wait3A_124] : memref<2048x1024xf32, #tpu.memory_space<hbm>> -> memref<32x1024xf32, #tpu.memory_space<hbm>>
    %dma_wait3A_126 = arith.constant 0 : i32
    %dma_wait3A_127 = tpu.memref_slice %arg4[%add3A_92, %dma_wait3A_126] : memref<2048x1024xf32, #tpu.memory_space<hbm>> -> memref<32x1024xf32, #tpu.memory_space<hbm>>
    %dma_wait3A_128 = arith.constant 0 : i32
    %dma_wait3A_129 = arith.constant 0 : i32
    %dma_wait3A_130 = tpu.memref_slice %arg6[%dma_wait3A_119, %dma_wait3A_128, %dma_wait3A_129] : memref<3x32x1024xf32, #tpu.memory_space<vmem>> -> memref<1x32x1024xf32, #tpu.memory_space<vmem>>
    %dma_wait3A_131 = tpu.memref_squeeze %dma_wait3A_130 : memref<1x32x1024xf32, #tpu.memory_space<vmem>> -> memref<32x1024xf32, #tpu.memory_space<vmem>>
    tpu.wait_dma2 semaphore(%arg11 : memref<!tpu.dma_semaphore, #tpu.memory_space<semaphore_mem>>) src(%dma_wait3A_131 : memref<32x1024xf32, #tpu.memory_space<vmem>>) dst(%dma_wait3A_127 : memref<32x1024xf32, #tpu.memory_space<hbm>>)
    return
  }
}

#map = affine_map<(d0, d1) -> (0, 0)>
module attributes {stable_mosaic.version = 14 : i64} {
  func.func @_sc_gather(%arg0: i32, %arg1: i32, %arg2: memref<4x2048xi32, #tpu.memory_space<hbm>>, %arg3: memref<100000x1024xf32, #tpu.memory_space<hbm>>, %arg4: memref<2048x1024xf32, #tpu.memory_space<hbm>>, %arg5: memref<64xi32, #tpu.memory_space<vmem>>, %arg6: memref<3x32x1024xf32, #tpu.memory_space<vmem>>, %arg7: memref<!tpu.dma_semaphore, #tpu.memory_space<semaphore_mem>>, %arg8: memref<!tpu.dma_semaphore, #tpu.memory_space<semaphore_mem>>, %arg9: memref<!tpu.dma_semaphore, #tpu.memory_space<semaphore_mem>>, %arg10: memref<!tpu.dma_semaphore, #tpu.memory_space<semaphore_mem>>, %arg11: memref<!tpu.dma_semaphore, #tpu.memory_space<semaphore_mem>>, %arg12: memref<!tpu.dma_semaphore, #tpu.memory_space<semaphore_mem>>) attributes {dimension_semantics = [#tpu.dimension_semantics<core_parallel>, #tpu.dimension_semantics<subcore_parallel>], iteration_bounds = array<i64: 2, 16>, scalar_prefetch = 0 : i64, scratch_operands = 8 : i64, tpu.core_type = #tpu.core_type<sc_vector_subcore>, window_params = [{transform_indices = #map}, {transform_indices = #map}, {transform_indices = #map}]} {
    %mul3A = arith.constant 2 : i32
    %mul3A_0 = arith.muli %arg1, %mul3A : i32
    %add3A = arith.addi %mul3A_0, %arg0 : i32
    %jit3A = arith.constant 8 : i32
    %div3A = arith.divsi %add3A, %jit3A : i32
    %sign3A = arith.constant 0 : i32
    %sign3A_1 = arith.cmpi sgt, %add3A, %sign3A : i32
    %sign3A_2 = arith.extui %sign3A_1 : i1 to i32
    %sign3A_3 = arith.constant 0 : i32
    %sign3A_4 = arith.cmpi slt, %add3A, %sign3A_3 : i32
    %sign3A_5 = arith.extui %sign3A_4 : i1 to i32
    %sign3A_6 = arith.subi %sign3A_2, %sign3A_5 : i32
    %sign3A_7 = arith.constant 0 : i32
    %sign3A_8 = arith.cmpi sgt, %jit3A, %sign3A_7 : i32
    %sign3A_9 = arith.extui %sign3A_8 : i1 to i32
    %sign3A_10 = arith.constant 0 : i32
    %sign3A_11 = arith.cmpi slt, %jit3A, %sign3A_10 : i32
    %sign3A_12 = arith.extui %sign3A_11 : i1 to i32
    %sign3A_13 = arith.subi %sign3A_9, %sign3A_12 : i32
    %ne3A = arith.cmpi ne, %sign3A_6, %sign3A_13 : i32
    %rem3A = arith.remsi %add3A, %jit3A : i32
    %ne3A_14 = arith.constant 0 : i32
    %ne3A_15 = arith.cmpi ne, %rem3A, %ne3A_14 : i32
    %and3A = arith.andi %ne3A, %ne3A_15 : i1
    %sub3A = arith.constant 1 : i32
    %sub3A_16 = arith.subi %div3A, %sub3A : i32
    %select_n3A = arith.select %and3A, %sub3A_16, %div3A : i32
    %jit3A_17 = arith.constant 8 : i32
    %eq3A = arith.constant 0 : i32
    %eq3A_18 = arith.cmpi eq, %jit3A_17, %eq3A : i32
    %jit3A_19 = arith.constant 1 : i32
    %select_n3A_20 = arith.select %eq3A_18, %jit3A_19, %jit3A_17 : i32
    %rem3A_21 = arith.remsi %add3A, %select_n3A_20 : i32
    %ne3A_22 = arith.constant 0 : i32
    %ne3A_23 = arith.cmpi ne, %rem3A_21, %ne3A_22 : i32
    %lt3A = arith.constant 0 : i32
    %lt3A_24 = arith.cmpi slt, %rem3A_21, %lt3A : i32
    %lt3A_25 = arith.constant 0 : i32
    %lt3A_26 = arith.cmpi slt, %select_n3A_20, %lt3A_25 : i32
    %ne3A_27 = arith.xori %lt3A_24, %lt3A_26 : i1
    %and3A_28 = arith.andi %ne3A_27, %ne3A_23 : i1
    %add3A_29 = arith.addi %rem3A_21, %select_n3A_20 : i32
    %select_n3A_30 = arith.select %and3A_28, %add3A_29, %rem3A_21 : i32
    %mul3A_31 = arith.constant 64 : i32
    %mul3A_32 = arith.muli %select_n3A_30, %mul3A_31 : i32
    %add3A_33 = arith.constant 1536 : i32
    %add3A_34 = arith.addi %add3A_33, %mul3A_32 : i32
    %mul3A_35 = arith.constant 512 : i32
    %mul3A_36 = arith.muli %select_n3A, %mul3A_35 : i32
    %add3A_37 = arith.addi %mul3A_36, %mul3A_32 : i32
    "tpu.region"() ({
      %run_scoped3A = tpu.sem_alloc : memref<!tpu.dma_semaphore, #tpu.memory_space<semaphore_mem>>
      %dma_start3A_132 = tpu.memref_slice %arg2[%select_n3A, %add3A_34] : memref<4x2048xi32, #tpu.memory_space<hbm>> -> memref<1x64xi32, #tpu.memory_space<hbm>>
      %dma_start3A_133 = tpu.memref_squeeze %dma_start3A_132 : memref<1x64xi32, #tpu.memory_space<hbm>> -> memref<64xi32, #tpu.memory_space<hbm>>
      %dma_start3A_134 = tpu.memref_slice %arg2[%select_n3A, %add3A_34] : memref<4x2048xi32, #tpu.memory_space<hbm>> -> memref<1x64xi32, #tpu.memory_space<hbm>>
      %dma_start3A_135 = tpu.memref_squeeze %dma_start3A_134 : memref<1x64xi32, #tpu.memory_space<hbm>> -> memref<64xi32, #tpu.memory_space<hbm>>
      tpu.enqueue_dma source(%dma_start3A_135 : memref<64xi32, #tpu.memory_space<hbm>>) target(%arg5 : memref<64xi32, #tpu.memory_space<vmem>>) target_semaphore(%run_scoped3A : memref<!tpu.dma_semaphore, #tpu.memory_space<semaphore_mem>>)
      %dma_wait3A_136 = tpu.memref_slice %arg2[%select_n3A, %add3A_34] : memref<4x2048xi32, #tpu.memory_space<hbm>> -> memref<1x64xi32, #tpu.memory_space<hbm>>
      %dma_wait3A_137 = tpu.memref_squeeze %dma_wait3A_136 : memref<1x64xi32, #tpu.memory_space<hbm>> -> memref<64xi32, #tpu.memory_space<hbm>>
      %dma_wait3A_138 = tpu.memref_slice %arg2[%select_n3A, %add3A_34] : memref<4x2048xi32, #tpu.memory_space<hbm>> -> memref<1x64xi32, #tpu.memory_space<hbm>>
      %dma_wait3A_139 = tpu.memref_squeeze %dma_wait3A_138 : memref<1x64xi32, #tpu.memory_space<hbm>> -> memref<64xi32, #tpu.memory_space<hbm>>
      tpu.wait_dma2 semaphore(%run_scoped3A : memref<!tpu.dma_semaphore, #tpu.memory_space<semaphore_mem>>) src(%dma_wait3A_139 : memref<64xi32, #tpu.memory_space<hbm>>) dst(%arg5 : memref<64xi32, #tpu.memory_space<vmem>>)
      tpu.yield
    }) : () -> ()
    %dma_start3A = arith.constant 0 : i32
    %dma_start3A_38 = arith.constant 0 : i32
    %dma_start3A_39 = arith.constant 0 : i32
    %dma_start3A_40 = tpu.memref_slice %arg6[%dma_start3A, %dma_start3A_38, %dma_start3A_39] : memref<3x32x1024xf32, #tpu.memory_space<vmem>> -> memref<1x32x1024xf32, #tpu.memory_space<vmem>>
    %dma_start3A_41 = tpu.memref_squeeze %dma_start3A_40 : memref<1x32x1024xf32, #tpu.memory_space<vmem>> -> memref<32x1024xf32, #tpu.memory_space<vmem>>
    %dma_start3A_42 = arith.constant 0 : i32
    %dma_start3A_43 = tpu.memref_slice %arg5[%dma_start3A_42] : memref<64xi32, #tpu.memory_space<vmem>> -> memref<32xi32, #tpu.memory_space<vmem>>
    %dma_start3A_44 = arith.constant 0 : i32
    %dma_start3A_45 = arith.constant 0 : i32
    %dma_start3A_46 = tpu.memref_slice %arg3[%dma_start3A_44, %dma_start3A_45] : memref<100000x1024xf32, #tpu.memory_space<hbm>> -> memref<100000x1024xf32, #tpu.memory_space<hbm>>
    tpu.enqueue_indirect_dma source(%dma_start3A_46 : memref<100000x1024xf32, #tpu.memory_space<hbm>>) target(%dma_start3A_41 : memref<32x1024xf32, #tpu.memory_space<vmem>>) offsets(%dma_start3A_43 : memref<32xi32, #tpu.memory_space<vmem>>) semaphore(%arg7 : memref<!tpu.dma_semaphore, #tpu.memory_space<semaphore_mem>>)
    %dma_start3A_47 = arith.constant 1 : i32
    %dma_start3A_48 = arith.constant 0 : i32
    %dma_start3A_49 = arith.constant 0 : i32
    %dma_start3A_50 = tpu.memref_slice %arg6[%dma_start3A_47, %dma_start3A_48, %dma_start3A_49] : memref<3x32x1024xf32, #tpu.memory_space<vmem>> -> memref<1x32x1024xf32, #tpu.memory_space<vmem>>
    %dma_start3A_51 = tpu.memref_squeeze %dma_start3A_50 : memref<1x32x1024xf32, #tpu.memory_space<vmem>> -> memref<32x1024xf32, #tpu.memory_space<vmem>>
    %dma_start3A_52 = arith.constant 32 : i32
    %dma_start3A_53 = tpu.memref_slice %arg5[%dma_start3A_52] : memref<64xi32, #tpu.memory_space<vmem>> -> memref<32xi32, #tpu.memory_space<vmem>>
    %dma_start3A_54 = arith.constant 0 : i32
    %dma_start3A_55 = arith.constant 0 : i32
    %dma_start3A_56 = tpu.memref_slice %arg3[%dma_start3A_54, %dma_start3A_55] : memref<100000x1024xf32, #tpu.memory_space<hbm>> -> memref<100000x1024xf32, #tpu.memory_space<hbm>>
    tpu.enqueue_indirect_dma source(%dma_start3A_56 : memref<100000x1024xf32, #tpu.memory_space<hbm>>) target(%dma_start3A_51 : memref<32x1024xf32, #tpu.memory_space<vmem>>) offsets(%dma_start3A_53 : memref<32xi32, #tpu.memory_space<vmem>>) semaphore(%arg8 : memref<!tpu.dma_semaphore, #tpu.memory_space<semaphore_mem>>)
    %dma_wait3A = arith.constant 0 : i32
    %dma_wait3A_57 = arith.constant 0 : i32
    %dma_wait3A_58 = arith.constant 0 : i32
    %dma_wait3A_59 = tpu.memref_slice %arg6[%dma_wait3A, %dma_wait3A_57, %dma_wait3A_58] : memref<3x32x1024xf32, #tpu.memory_space<vmem>> -> memref<1x32x1024xf32, #tpu.memory_space<vmem>>
    %dma_wait3A_60 = tpu.memref_squeeze %dma_wait3A_59 : memref<1x32x1024xf32, #tpu.memory_space<vmem>> -> memref<32x1024xf32, #tpu.memory_space<vmem>>
    %dma_wait3A_61 = arith.constant 0 : i32
    %dma_wait3A_62 = tpu.memref_slice %arg5[%dma_wait3A_61] : memref<64xi32, #tpu.memory_space<vmem>> -> memref<32xi32, #tpu.memory_space<vmem>>
    %dma_wait3A_63 = arith.constant 0 : i32
    %dma_wait3A_64 = arith.constant 0 : i32
    %dma_wait3A_65 = tpu.memref_slice %arg3[%dma_wait3A_63, %dma_wait3A_64] : memref<100000x1024xf32, #tpu.memory_space<hbm>> -> memref<100000x1024xf32, #tpu.memory_space<hbm>>
    tpu.wait_indirect_dma semaphore(%arg7 : memref<!tpu.dma_semaphore, #tpu.memory_space<semaphore_mem>>) src(%dma_wait3A_65 : memref<100000x1024xf32, #tpu.memory_space<hbm>>) dst(%dma_wait3A_60 : memref<32x1024xf32, #tpu.memory_space<vmem>>)
    %add3A_66 = arith.constant 0 : i32
    %add3A_67 = arith.addi %add3A_37, %add3A_66 : i32
    %dma_start3A_68 = arith.constant 0 : i32
    %dma_start3A_69 = arith.constant 0 : i32
    %dma_start3A_70 = arith.constant 0 : i32
    %dma_start3A_71 = tpu.memref_slice %arg6[%dma_start3A_68, %dma_start3A_69, %dma_start3A_70] : memref<3x32x1024xf32, #tpu.memory_space<vmem>> -> memref<1x32x1024xf32, #tpu.memory_space<vmem>>
    %dma_start3A_72 = tpu.memref_squeeze %dma_start3A_71 : memref<1x32x1024xf32, #tpu.memory_space<vmem>> -> memref<32x1024xf32, #tpu.memory_space<vmem>>
    %dma_start3A_73 = arith.constant 0 : i32
    %dma_start3A_74 = tpu.memref_slice %arg4[%add3A_67, %dma_start3A_73] : memref<2048x1024xf32, #tpu.memory_space<hbm>> -> memref<32x1024xf32, #tpu.memory_space<hbm>>
    %dma_start3A_75 = arith.constant 0 : i32
    %dma_start3A_76 = tpu.memref_slice %arg4[%add3A_67, %dma_start3A_75] : memref<2048x1024xf32, #tpu.memory_space<hbm>> -> memref<32x1024xf32, #tpu.memory_space<hbm>>
    %dma_start3A_77 = arith.constant 0 : i32
    %dma_start3A_78 = arith.constant 0 : i32
    %dma_start3A_79 = tpu.memref_slice %arg6[%dma_start3A_68, %dma_start3A_77, %dma_start3A_78] : memref<3x32x1024xf32, #tpu.memory_space<vmem>> -> memref<1x32x1024xf32, #tpu.memory_space<vmem>>
    %dma_start3A_80 = tpu.memref_squeeze %dma_start3A_79 : memref<1x32x1024xf32, #tpu.memory_space<vmem>> -> memref<32x1024xf32, #tpu.memory_space<vmem>>
    tpu.enqueue_dma source(%dma_start3A_80 : memref<32x1024xf32, #tpu.memory_space<vmem>>) target(%dma_start3A_76 : memref<32x1024xf32, #tpu.memory_space<hbm>>) target_semaphore(%arg10 : memref<!tpu.dma_semaphore, #tpu.memory_space<semaphore_mem>>)
    %dma_wait3A_81 = arith.constant 1 : i32
    %dma_wait3A_82 = arith.constant 0 : i32
    %dma_wait3A_83 = arith.constant 0 : i32
    %dma_wait3A_84 = tpu.memref_slice %arg6[%dma_wait3A_81, %dma_wait3A_82, %dma_wait3A_83] : memref<3x32x1024xf32, #tpu.memory_space<vmem>> -> memref<1x32x1024xf32, #tpu.memory_space<vmem>>
    %dma_wait3A_85 = tpu.memref_squeeze %dma_wait3A_84 : memref<1x32x1024xf32, #tpu.memory_space<vmem>> -> memref<32x1024xf32, #tpu.memory_space<vmem>>
    %dma_wait3A_86 = arith.constant 32 : i32
    %dma_wait3A_87 = tpu.memref_slice %arg5[%dma_wait3A_86] : memref<64xi32, #tpu.memory_space<vmem>> -> memref<32xi32, #tpu.memory_space<vmem>>
    %dma_wait3A_88 = arith.constant 0 : i32
    %dma_wait3A_89 = arith.constant 0 : i32
    %dma_wait3A_90 = tpu.memref_slice %arg3[%dma_wait3A_88, %dma_wait3A_89] : memref<100000x1024xf32, #tpu.memory_space<hbm>> -> memref<100000x1024xf32, #tpu.memory_space<hbm>>
    tpu.wait_indirect_dma semaphore(%arg8 : memref<!tpu.dma_semaphore, #tpu.memory_space<semaphore_mem>>) src(%dma_wait3A_90 : memref<100000x1024xf32, #tpu.memory_space<hbm>>) dst(%dma_wait3A_85 : memref<32x1024xf32, #tpu.memory_space<vmem>>)
    %add3A_91 = arith.constant 32 : i32
    %add3A_92 = arith.addi %add3A_37, %add3A_91 : i32
    %dma_start3A_93 = arith.constant 1 : i32
    %dma_start3A_94 = arith.constant 0 : i32
    %dma_start3A_95 = arith.constant 0 : i32
    %dma_start3A_96 = tpu.memref_slice %arg6[%dma_start3A_93, %dma_start3A_94, %dma_start3A_95] : memref<3x32x1024xf32, #tpu.memory_space<vmem>> -> memref<1x32x1024xf32, #tpu.memory_space<vmem>>
    %dma_start3A_97 = tpu.memref_squeeze %dma_start3A_96 : memref<1x32x1024xf32, #tpu.memory_space<vmem>> -> memref<32x1024xf32, #tpu.memory_space<vmem>>
    %dma_start3A_98 = arith.constant 0 : i32
    %dma_start3A_99 = tpu.memref_slice %arg4[%add3A_92, %dma_start3A_98] : memref<2048x1024xf32, #tpu.memory_space<hbm>> -> memref<32x1024xf32, #tpu.memory_space<hbm>>
    %dma_start3A_100 = arith.constant 0 : i32
    %dma_start3A_101 = tpu.memref_slice %arg4[%add3A_92, %dma_start3A_100] : memref<2048x1024xf32, #tpu.memory_space<hbm>> -> memref<32x1024xf32, #tpu.memory_space<hbm>>
    %dma_start3A_102 = arith.constant 0 : i32
    %dma_start3A_103 = arith.constant 0 : i32
    %dma_start3A_104 = tpu.memref_slice %arg6[%dma_start3A_93, %dma_start3A_102, %dma_start3A_103] : memref<3x32x1024xf32, #tpu.memory_space<vmem>> -> memref<1x32x1024xf32, #tpu.memory_space<vmem>>
    %dma_start3A_105 = tpu.memref_squeeze %dma_start3A_104 : memref<1x32x1024xf32, #tpu.memory_space<vmem>> -> memref<32x1024xf32, #tpu.memory_space<vmem>>
    tpu.enqueue_dma source(%dma_start3A_105 : memref<32x1024xf32, #tpu.memory_space<vmem>>) target(%dma_start3A_101 : memref<32x1024xf32, #tpu.memory_space<hbm>>) target_semaphore(%arg11 : memref<!tpu.dma_semaphore, #tpu.memory_space<semaphore_mem>>)
    %dma_wait3A_106 = arith.constant 0 : i32
    %dma_wait3A_107 = arith.constant 0 : i32
    %dma_wait3A_108 = arith.constant 0 : i32
    %dma_wait3A_109 = tpu.memref_slice %arg6[%dma_wait3A_106, %dma_wait3A_107, %dma_wait3A_108] : memref<3x32x1024xf32, #tpu.memory_space<vmem>> -> memref<1x32x1024xf32, #tpu.memory_space<vmem>>
    %dma_wait3A_110 = tpu.memref_squeeze %dma_wait3A_109 : memref<1x32x1024xf32, #tpu.memory_space<vmem>> -> memref<32x1024xf32, #tpu.memory_space<vmem>>
    %dma_wait3A_111 = arith.constant 0 : i32
    %dma_wait3A_112 = tpu.memref_slice %arg4[%add3A_67, %dma_wait3A_111] : memref<2048x1024xf32, #tpu.memory_space<hbm>> -> memref<32x1024xf32, #tpu.memory_space<hbm>>
    %dma_wait3A_113 = arith.constant 0 : i32
    %dma_wait3A_114 = tpu.memref_slice %arg4[%add3A_67, %dma_wait3A_113] : memref<2048x1024xf32, #tpu.memory_space<hbm>> -> memref<32x1024xf32, #tpu.memory_space<hbm>>
    %dma_wait3A_115 = arith.constant 0 : i32
    %dma_wait3A_116 = arith.constant 0 : i32
    %dma_wait3A_117 = tpu.memref_slice %arg6[%dma_wait3A_106, %dma_wait3A_115, %dma_wait3A_116] : memref<3x32x1024xf32, #tpu.memory_space<vmem>> -> memref<1x32x1024xf32, #tpu.memory_space<vmem>>
    %dma_wait3A_118 = tpu.memref_squeeze %dma_wait3A_117 : memref<1x32x1024xf32, #tpu.memory_space<vmem>> -> memref<32x1024xf32, #tpu.memory_space<vmem>>
    tpu.wait_dma2 semaphore(%arg10 : memref<!tpu.dma_semaphore, #tpu.memory_space<semaphore_mem>>) src(%dma_wait3A_118 : memref<32x1024xf32, #tpu.memory_space<vmem>>) dst(%dma_wait3A_114 : memref<32x1024xf32, #tpu.memory_space<hbm>>)
    %dma_wait3A_119 = arith.constant 1 : i32
    %dma_wait3A_120 = arith.constant 0 : i32
    %dma_wait3A_121 = arith.constant 0 : i32
    %dma_wait3A_122 = tpu.memref_slice %arg6[%dma_wait3A_119, %dma_wait3A_120, %dma_wait3A_121] : memref<3x32x1024xf32, #tpu.memory_space<vmem>> -> memref<1x32x1024xf32, #tpu.memory_space<vmem>>
    %dma_wait3A_123 = tpu.memref_squeeze %dma_wait3A_122 : memref<1x32x1024xf32, #tpu.memory_space<vmem>> -> memref<32x1024xf32, #tpu.memory_space<vmem>>
    %dma_wait3A_124 = arith.constant 0 : i32
    %dma_wait3A_125 = tpu.memref_slice %arg4[%add3A_92, %dma_wait3A_124] : memref<2048x1024xf32, #tpu.memory_space<hbm>> -> memref<32x1024xf32, #tpu.memory_space<hbm>>
    %dma_wait3A_126 = arith.constant 0 : i32
    %dma_wait3A_127 = tpu.memref_slice %arg4[%add3A_92, %dma_wait3A_126] : memref<2048x1024xf32, #tpu.memory_space<hbm>> -> memref<32x1024xf32, #tpu.memory_space<hbm>>
    %dma_wait3A_128 = arith.constant 0 : i32
    %dma_wait3A_129 = arith.constant 0 : i32
    %dma_wait3A_130 = tpu.memref_slice %arg6[%dma_wait3A_119, %dma_wait3A_128, %dma_wait3A_129] : memref<3x32x1024xf32, #tpu.memory_space<vmem>> -> memref<1x32x1024xf32, #tpu.memory_space<vmem>>
    %dma_wait3A_131 = tpu.memref_squeeze %dma_wait3A_130 : memref<1x32x1024xf32, #tpu.memory_space<vmem>> -> memref<32x1024xf32, #tpu.memory_space<vmem>>
    tpu.wait_dma2 semaphore(%arg11 : memref<!tpu.dma_semaphore, #tpu.memory_space<semaphore_mem>>) src(%dma_wait3A_131 : memref<32x1024xf32, #tpu.memory_space<vmem>>) dst(%dma_wait3A_127 : memref<32x1024xf32, #tpu.memory_space<hbm>>)
    return
  }
}

#map = affine_map<(d0, d1) -> (0, 0)>
module attributes {stable_mosaic.version = 14 : i64} {
  func.func @_sc_gather(%arg0: i32, %arg1: i32, %arg2: memref<4x2048xi32, #tpu.memory_space<hbm>>, %arg3: memref<100000x1024xf32, #tpu.memory_space<hbm>>, %arg4: memref<2048x1024xf32, #tpu.memory_space<hbm>>, %arg5: memref<64xi32, #tpu.memory_space<vmem>>, %arg6: memref<3x32x1024xf32, #tpu.memory_space<vmem>>, %arg7: memref<!tpu.dma_semaphore, #tpu.memory_space<semaphore_mem>>, %arg8: memref<!tpu.dma_semaphore, #tpu.memory_space<semaphore_mem>>, %arg9: memref<!tpu.dma_semaphore, #tpu.memory_space<semaphore_mem>>, %arg10: memref<!tpu.dma_semaphore, #tpu.memory_space<semaphore_mem>>, %arg11: memref<!tpu.dma_semaphore, #tpu.memory_space<semaphore_mem>>, %arg12: memref<!tpu.dma_semaphore, #tpu.memory_space<semaphore_mem>>) attributes {dimension_semantics = [#tpu.dimension_semantics<core_parallel>, #tpu.dimension_semantics<subcore_parallel>], iteration_bounds = array<i64: 2, 16>, scalar_prefetch = 0 : i64, scratch_operands = 8 : i64, tpu.core_type = #tpu.core_type<sc_vector_subcore>, window_params = [{transform_indices = #map}, {transform_indices = #map}, {transform_indices = #map}]} {
    %mul3A = arith.constant 2 : i32
    %mul3A_0 = arith.muli %arg1, %mul3A : i32
    %add3A = arith.addi %mul3A_0, %arg0 : i32
    %jit3A = arith.constant 8 : i32
    %div3A = arith.divsi %add3A, %jit3A : i32
    %sign3A = arith.constant 0 : i32
    %sign3A_1 = arith.cmpi sgt, %add3A, %sign3A : i32
    %sign3A_2 = arith.extui %sign3A_1 : i1 to i32
    %sign3A_3 = arith.constant 0 : i32
    %sign3A_4 = arith.cmpi slt, %add3A, %sign3A_3 : i32
    %sign3A_5 = arith.extui %sign3A_4 : i1 to i32
    %sign3A_6 = arith.subi %sign3A_2, %sign3A_5 : i32
    %sign3A_7 = arith.constant 0 : i32
    %sign3A_8 = arith.cmpi sgt, %jit3A, %sign3A_7 : i32
    %sign3A_9 = arith.extui %sign3A_8 : i1 to i32
    %sign3A_10 = arith.constant 0 : i32
    %sign3A_11 = arith.cmpi slt, %jit3A, %sign3A_10 : i32
    %sign3A_12 = arith.extui %sign3A_11 : i1 to i32
    %sign3A_13 = arith.subi %sign3A_9, %sign3A_12 : i32
    %ne3A = arith.cmpi ne, %sign3A_6, %sign3A_13 : i32
    %rem3A = arith.remsi %add3A, %jit3A : i32
    %ne3A_14 = arith.constant 0 : i32
    %ne3A_15 = arith.cmpi ne, %rem3A, %ne3A_14 : i32
    %and3A = arith.andi %ne3A, %ne3A_15 : i1
    %sub3A = arith.constant 1 : i32
    %sub3A_16 = arith.subi %div3A, %sub3A : i32
    %select_n3A = arith.select %and3A, %sub3A_16, %div3A : i32
    %jit3A_17 = arith.constant 8 : i32
    %eq3A = arith.constant 0 : i32
    %eq3A_18 = arith.cmpi eq, %jit3A_17, %eq3A : i32
    %jit3A_19 = arith.constant 1 : i32
    %select_n3A_20 = arith.select %eq3A_18, %jit3A_19, %jit3A_17 : i32
    %rem3A_21 = arith.remsi %add3A, %select_n3A_20 : i32
    %ne3A_22 = arith.constant 0 : i32
    %ne3A_23 = arith.cmpi ne, %rem3A_21, %ne3A_22 : i32
    %lt3A = arith.constant 0 : i32
    %lt3A_24 = arith.cmpi slt, %rem3A_21, %lt3A : i32
    %lt3A_25 = arith.constant 0 : i32
    %lt3A_26 = arith.cmpi slt, %select_n3A_20, %lt3A_25 : i32
    %ne3A_27 = arith.xori %lt3A_24, %lt3A_26 : i1
    %and3A_28 = arith.andi %ne3A_27, %ne3A_23 : i1
    %add3A_29 = arith.addi %rem3A_21, %select_n3A_20 : i32
    %select_n3A_30 = arith.select %and3A_28, %add3A_29, %rem3A_21 : i32
    %mul3A_31 = arith.constant 64 : i32
    %mul3A_32 = arith.muli %select_n3A_30, %mul3A_31 : i32
    %add3A_33 = arith.constant 1024 : i32
    %add3A_34 = arith.addi %add3A_33, %mul3A_32 : i32
    %mul3A_35 = arith.constant 512 : i32
    %mul3A_36 = arith.muli %select_n3A, %mul3A_35 : i32
    %add3A_37 = arith.addi %mul3A_36, %mul3A_32 : i32
    "tpu.region"() ({
      %run_scoped3A = tpu.sem_alloc : memref<!tpu.dma_semaphore, #tpu.memory_space<semaphore_mem>>
      %dma_start3A_132 = tpu.memref_slice %arg2[%select_n3A, %add3A_34] : memref<4x2048xi32, #tpu.memory_space<hbm>> -> memref<1x64xi32, #tpu.memory_space<hbm>>
      %dma_start3A_133 = tpu.memref_squeeze %dma_start3A_132 : memref<1x64xi32, #tpu.memory_space<hbm>> -> memref<64xi32, #tpu.memory_space<hbm>>
      %dma_start3A_134 = tpu.memref_slice %arg2[%select_n3A, %add3A_34] : memref<4x2048xi32, #tpu.memory_space<hbm>> -> memref<1x64xi32, #tpu.memory_space<hbm>>
      %dma_start3A_135 = tpu.memref_squeeze %dma_start3A_134 : memref<1x64xi32, #tpu.memory_space<hbm>> -> memref<64xi32, #tpu.memory_space<hbm>>
      tpu.enqueue_dma source(%dma_start3A_135 : memref<64xi32, #tpu.memory_space<hbm>>) target(%arg5 : memref<64xi32, #tpu.memory_space<vmem>>) target_semaphore(%run_scoped3A : memref<!tpu.dma_semaphore, #tpu.memory_space<semaphore_mem>>)
      %dma_wait3A_136 = tpu.memref_slice %arg2[%select_n3A, %add3A_34] : memref<4x2048xi32, #tpu.memory_space<hbm>> -> memref<1x64xi32, #tpu.memory_space<hbm>>
      %dma_wait3A_137 = tpu.memref_squeeze %dma_wait3A_136 : memref<1x64xi32, #tpu.memory_space<hbm>> -> memref<64xi32, #tpu.memory_space<hbm>>
      %dma_wait3A_138 = tpu.memref_slice %arg2[%select_n3A, %add3A_34] : memref<4x2048xi32, #tpu.memory_space<hbm>> -> memref<1x64xi32, #tpu.memory_space<hbm>>
      %dma_wait3A_139 = tpu.memref_squeeze %dma_wait3A_138 : memref<1x64xi32, #tpu.memory_space<hbm>> -> memref<64xi32, #tpu.memory_space<hbm>>
      tpu.wait_dma2 semaphore(%run_scoped3A : memref<!tpu.dma_semaphore, #tpu.memory_space<semaphore_mem>>) src(%dma_wait3A_139 : memref<64xi32, #tpu.memory_space<hbm>>) dst(%arg5 : memref<64xi32, #tpu.memory_space<vmem>>)
      tpu.yield
    }) : () -> ()
    %dma_start3A = arith.constant 0 : i32
    %dma_start3A_38 = arith.constant 0 : i32
    %dma_start3A_39 = arith.constant 0 : i32
    %dma_start3A_40 = tpu.memref_slice %arg6[%dma_start3A, %dma_start3A_38, %dma_start3A_39] : memref<3x32x1024xf32, #tpu.memory_space<vmem>> -> memref<1x32x1024xf32, #tpu.memory_space<vmem>>
    %dma_start3A_41 = tpu.memref_squeeze %dma_start3A_40 : memref<1x32x1024xf32, #tpu.memory_space<vmem>> -> memref<32x1024xf32, #tpu.memory_space<vmem>>
    %dma_start3A_42 = arith.constant 0 : i32
    %dma_start3A_43 = tpu.memref_slice %arg5[%dma_start3A_42] : memref<64xi32, #tpu.memory_space<vmem>> -> memref<32xi32, #tpu.memory_space<vmem>>
    %dma_start3A_44 = arith.constant 0 : i32
    %dma_start3A_45 = arith.constant 0 : i32
    %dma_start3A_46 = tpu.memref_slice %arg3[%dma_start3A_44, %dma_start3A_45] : memref<100000x1024xf32, #tpu.memory_space<hbm>> -> memref<100000x1024xf32, #tpu.memory_space<hbm>>
    tpu.enqueue_indirect_dma source(%dma_start3A_46 : memref<100000x1024xf32, #tpu.memory_space<hbm>>) target(%dma_start3A_41 : memref<32x1024xf32, #tpu.memory_space<vmem>>) offsets(%dma_start3A_43 : memref<32xi32, #tpu.memory_space<vmem>>) semaphore(%arg7 : memref<!tpu.dma_semaphore, #tpu.memory_space<semaphore_mem>>)
    %dma_start3A_47 = arith.constant 1 : i32
    %dma_start3A_48 = arith.constant 0 : i32
    %dma_start3A_49 = arith.constant 0 : i32
    %dma_start3A_50 = tpu.memref_slice %arg6[%dma_start3A_47, %dma_start3A_48, %dma_start3A_49] : memref<3x32x1024xf32, #tpu.memory_space<vmem>> -> memref<1x32x1024xf32, #tpu.memory_space<vmem>>
    %dma_start3A_51 = tpu.memref_squeeze %dma_start3A_50 : memref<1x32x1024xf32, #tpu.memory_space<vmem>> -> memref<32x1024xf32, #tpu.memory_space<vmem>>
    %dma_start3A_52 = arith.constant 32 : i32
    %dma_start3A_53 = tpu.memref_slice %arg5[%dma_start3A_52] : memref<64xi32, #tpu.memory_space<vmem>> -> memref<32xi32, #tpu.memory_space<vmem>>
    %dma_start3A_54 = arith.constant 0 : i32
    %dma_start3A_55 = arith.constant 0 : i32
    %dma_start3A_56 = tpu.memref_slice %arg3[%dma_start3A_54, %dma_start3A_55] : memref<100000x1024xf32, #tpu.memory_space<hbm>> -> memref<100000x1024xf32, #tpu.memory_space<hbm>>
    tpu.enqueue_indirect_dma source(%dma_start3A_56 : memref<100000x1024xf32, #tpu.memory_space<hbm>>) target(%dma_start3A_51 : memref<32x1024xf32, #tpu.memory_space<vmem>>) offsets(%dma_start3A_53 : memref<32xi32, #tpu.memory_space<vmem>>) semaphore(%arg8 : memref<!tpu.dma_semaphore, #tpu.memory_space<semaphore_mem>>)
    %dma_wait3A = arith.constant 0 : i32
    %dma_wait3A_57 = arith.constant 0 : i32
    %dma_wait3A_58 = arith.constant 0 : i32
    %dma_wait3A_59 = tpu.memref_slice %arg6[%dma_wait3A, %dma_wait3A_57, %dma_wait3A_58] : memref<3x32x1024xf32, #tpu.memory_space<vmem>> -> memref<1x32x1024xf32, #tpu.memory_space<vmem>>
    %dma_wait3A_60 = tpu.memref_squeeze %dma_wait3A_59 : memref<1x32x1024xf32, #tpu.memory_space<vmem>> -> memref<32x1024xf32, #tpu.memory_space<vmem>>
    %dma_wait3A_61 = arith.constant 0 : i32
    %dma_wait3A_62 = tpu.memref_slice %arg5[%dma_wait3A_61] : memref<64xi32, #tpu.memory_space<vmem>> -> memref<32xi32, #tpu.memory_space<vmem>>
    %dma_wait3A_63 = arith.constant 0 : i32
    %dma_wait3A_64 = arith.constant 0 : i32
    %dma_wait3A_65 = tpu.memref_slice %arg3[%dma_wait3A_63, %dma_wait3A_64] : memref<100000x1024xf32, #tpu.memory_space<hbm>> -> memref<100000x1024xf32, #tpu.memory_space<hbm>>
    tpu.wait_indirect_dma semaphore(%arg7 : memref<!tpu.dma_semaphore, #tpu.memory_space<semaphore_mem>>) src(%dma_wait3A_65 : memref<100000x1024xf32, #tpu.memory_space<hbm>>) dst(%dma_wait3A_60 : memref<32x1024xf32, #tpu.memory_space<vmem>>)
    %add3A_66 = arith.constant 0 : i32
    %add3A_67 = arith.addi %add3A_37, %add3A_66 : i32
    %dma_start3A_68 = arith.constant 0 : i32
    %dma_start3A_69 = arith.constant 0 : i32
    %dma_start3A_70 = arith.constant 0 : i32
    %dma_start3A_71 = tpu.memref_slice %arg6[%dma_start3A_68, %dma_start3A_69, %dma_start3A_70] : memref<3x32x1024xf32, #tpu.memory_space<vmem>> -> memref<1x32x1024xf32, #tpu.memory_space<vmem>>
    %dma_start3A_72 = tpu.memref_squeeze %dma_start3A_71 : memref<1x32x1024xf32, #tpu.memory_space<vmem>> -> memref<32x1024xf32, #tpu.memory_space<vmem>>
    %dma_start3A_73 = arith.constant 0 : i32
    %dma_start3A_74 = tpu.memref_slice %arg4[%add3A_67, %dma_start3A_73] : memref<2048x1024xf32, #tpu.memory_space<hbm>> -> memref<32x1024xf32, #tpu.memory_space<hbm>>
    %dma_start3A_75 = arith.constant 0 : i32
    %dma_start3A_76 = tpu.memref_slice %arg4[%add3A_67, %dma_start3A_75] : memref<2048x1024xf32, #tpu.memory_space<hbm>> -> memref<32x1024xf32, #tpu.memory_space<hbm>>
    %dma_start3A_77 = arith.constant 0 : i32
    %dma_start3A_78 = arith.constant 0 : i32
    %dma_start3A_79 = tpu.memref_slice %arg6[%dma_start3A_68, %dma_start3A_77, %dma_start3A_78] : memref<3x32x1024xf32, #tpu.memory_space<vmem>> -> memref<1x32x1024xf32, #tpu.memory_space<vmem>>
    %dma_start3A_80 = tpu.memref_squeeze %dma_start3A_79 : memref<1x32x1024xf32, #tpu.memory_space<vmem>> -> memref<32x1024xf32, #tpu.memory_space<vmem>>
    tpu.enqueue_dma source(%dma_start3A_80 : memref<32x1024xf32, #tpu.memory_space<vmem>>) target(%dma_start3A_76 : memref<32x1024xf32, #tpu.memory_space<hbm>>) target_semaphore(%arg10 : memref<!tpu.dma_semaphore, #tpu.memory_space<semaphore_mem>>)
    %dma_wait3A_81 = arith.constant 1 : i32
    %dma_wait3A_82 = arith.constant 0 : i32
    %dma_wait3A_83 = arith.constant 0 : i32
    %dma_wait3A_84 = tpu.memref_slice %arg6[%dma_wait3A_81, %dma_wait3A_82, %dma_wait3A_83] : memref<3x32x1024xf32, #tpu.memory_space<vmem>> -> memref<1x32x1024xf32, #tpu.memory_space<vmem>>
    %dma_wait3A_85 = tpu.memref_squeeze %dma_wait3A_84 : memref<1x32x1024xf32, #tpu.memory_space<vmem>> -> memref<32x1024xf32, #tpu.memory_space<vmem>>
    %dma_wait3A_86 = arith.constant 32 : i32
    %dma_wait3A_87 = tpu.memref_slice %arg5[%dma_wait3A_86] : memref<64xi32, #tpu.memory_space<vmem>> -> memref<32xi32, #tpu.memory_space<vmem>>
    %dma_wait3A_88 = arith.constant 0 : i32
    %dma_wait3A_89 = arith.constant 0 : i32
    %dma_wait3A_90 = tpu.memref_slice %arg3[%dma_wait3A_88, %dma_wait3A_89] : memref<100000x1024xf32, #tpu.memory_space<hbm>> -> memref<100000x1024xf32, #tpu.memory_space<hbm>>
    tpu.wait_indirect_dma semaphore(%arg8 : memref<!tpu.dma_semaphore, #tpu.memory_space<semaphore_mem>>) src(%dma_wait3A_90 : memref<100000x1024xf32, #tpu.memory_space<hbm>>) dst(%dma_wait3A_85 : memref<32x1024xf32, #tpu.memory_space<vmem>>)
    %add3A_91 = arith.constant 32 : i32
    %add3A_92 = arith.addi %add3A_37, %add3A_91 : i32
    %dma_start3A_93 = arith.constant 1 : i32
    %dma_start3A_94 = arith.constant 0 : i32
    %dma_start3A_95 = arith.constant 0 : i32
    %dma_start3A_96 = tpu.memref_slice %arg6[%dma_start3A_93, %dma_start3A_94, %dma_start3A_95] : memref<3x32x1024xf32, #tpu.memory_space<vmem>> -> memref<1x32x1024xf32, #tpu.memory_space<vmem>>
    %dma_start3A_97 = tpu.memref_squeeze %dma_start3A_96 : memref<1x32x1024xf32, #tpu.memory_space<vmem>> -> memref<32x1024xf32, #tpu.memory_space<vmem>>
    %dma_start3A_98 = arith.constant 0 : i32
    %dma_start3A_99 = tpu.memref_slice %arg4[%add3A_92, %dma_start3A_98] : memref<2048x1024xf32, #tpu.memory_space<hbm>> -> memref<32x1024xf32, #tpu.memory_space<hbm>>
    %dma_start3A_100 = arith.constant 0 : i32
    %dma_start3A_101 = tpu.memref_slice %arg4[%add3A_92, %dma_start3A_100] : memref<2048x1024xf32, #tpu.memory_space<hbm>> -> memref<32x1024xf32, #tpu.memory_space<hbm>>
    %dma_start3A_102 = arith.constant 0 : i32
    %dma_start3A_103 = arith.constant 0 : i32
    %dma_start3A_104 = tpu.memref_slice %arg6[%dma_start3A_93, %dma_start3A_102, %dma_start3A_103] : memref<3x32x1024xf32, #tpu.memory_space<vmem>> -> memref<1x32x1024xf32, #tpu.memory_space<vmem>>
    %dma_start3A_105 = tpu.memref_squeeze %dma_start3A_104 : memref<1x32x1024xf32, #tpu.memory_space<vmem>> -> memref<32x1024xf32, #tpu.memory_space<vmem>>
    tpu.enqueue_dma source(%dma_start3A_105 : memref<32x1024xf32, #tpu.memory_space<vmem>>) target(%dma_start3A_101 : memref<32x1024xf32, #tpu.memory_space<hbm>>) target_semaphore(%arg11 : memref<!tpu.dma_semaphore, #tpu.memory_space<semaphore_mem>>)
    %dma_wait3A_106 = arith.constant 0 : i32
    %dma_wait3A_107 = arith.constant 0 : i32
    %dma_wait3A_108 = arith.constant 0 : i32
    %dma_wait3A_109 = tpu.memref_slice %arg6[%dma_wait3A_106, %dma_wait3A_107, %dma_wait3A_108] : memref<3x32x1024xf32, #tpu.memory_space<vmem>> -> memref<1x32x1024xf32, #tpu.memory_space<vmem>>
    %dma_wait3A_110 = tpu.memref_squeeze %dma_wait3A_109 : memref<1x32x1024xf32, #tpu.memory_space<vmem>> -> memref<32x1024xf32, #tpu.memory_space<vmem>>
    %dma_wait3A_111 = arith.constant 0 : i32
    %dma_wait3A_112 = tpu.memref_slice %arg4[%add3A_67, %dma_wait3A_111] : memref<2048x1024xf32, #tpu.memory_space<hbm>> -> memref<32x1024xf32, #tpu.memory_space<hbm>>
    %dma_wait3A_113 = arith.constant 0 : i32
    %dma_wait3A_114 = tpu.memref_slice %arg4[%add3A_67, %dma_wait3A_113] : memref<2048x1024xf32, #tpu.memory_space<hbm>> -> memref<32x1024xf32, #tpu.memory_space<hbm>>
    %dma_wait3A_115 = arith.constant 0 : i32
    %dma_wait3A_116 = arith.constant 0 : i32
    %dma_wait3A_117 = tpu.memref_slice %arg6[%dma_wait3A_106, %dma_wait3A_115, %dma_wait3A_116] : memref<3x32x1024xf32, #tpu.memory_space<vmem>> -> memref<1x32x1024xf32, #tpu.memory_space<vmem>>
    %dma_wait3A_118 = tpu.memref_squeeze %dma_wait3A_117 : memref<1x32x1024xf32, #tpu.memory_space<vmem>> -> memref<32x1024xf32, #tpu.memory_space<vmem>>
    tpu.wait_dma2 semaphore(%arg10 : memref<!tpu.dma_semaphore, #tpu.memory_space<semaphore_mem>>) src(%dma_wait3A_118 : memref<32x1024xf32, #tpu.memory_space<vmem>>) dst(%dma_wait3A_114 : memref<32x1024xf32, #tpu.memory_space<hbm>>)
    %dma_wait3A_119 = arith.constant 1 : i32
    %dma_wait3A_120 = arith.constant 0 : i32
    %dma_wait3A_121 = arith.constant 0 : i32
    %dma_wait3A_122 = tpu.memref_slice %arg6[%dma_wait3A_119, %dma_wait3A_120, %dma_wait3A_121] : memref<3x32x1024xf32, #tpu.memory_space<vmem>> -> memref<1x32x1024xf32, #tpu.memory_space<vmem>>
    %dma_wait3A_123 = tpu.memref_squeeze %dma_wait3A_122 : memref<1x32x1024xf32, #tpu.memory_space<vmem>> -> memref<32x1024xf32, #tpu.memory_space<vmem>>
    %dma_wait3A_124 = arith.constant 0 : i32
    %dma_wait3A_125 = tpu.memref_slice %arg4[%add3A_92, %dma_wait3A_124] : memref<2048x1024xf32, #tpu.memory_space<hbm>> -> memref<32x1024xf32, #tpu.memory_space<hbm>>
    %dma_wait3A_126 = arith.constant 0 : i32
    %dma_wait3A_127 = tpu.memref_slice %arg4[%add3A_92, %dma_wait3A_126] : memref<2048x1024xf32, #tpu.memory_space<hbm>> -> memref<32x1024xf32, #tpu.memory_space<hbm>>
    %dma_wait3A_128 = arith.constant 0 : i32
    %dma_wait3A_129 = arith.constant 0 : i32
    %dma_wait3A_130 = tpu.memref_slice %arg6[%dma_wait3A_119, %dma_wait3A_128, %dma_wait3A_129] : memref<3x32x1024xf32, #tpu.memory_space<vmem>> -> memref<1x32x1024xf32, #tpu.memory_space<vmem>>
    %dma_wait3A_131 = tpu.memref_squeeze %dma_wait3A_130 : memref<1x32x1024xf32, #tpu.memory_space<vmem>> -> memref<32x1024xf32, #tpu.memory_space<vmem>>
    tpu.wait_dma2 semaphore(%arg11 : memref<!tpu.dma_semaphore, #tpu.memory_space<semaphore_mem>>) src(%dma_wait3A_131 : memref<32x1024xf32, #tpu.memory_space<vmem>>) dst(%dma_wait3A_127 : memref<32x1024xf32, #tpu.memory_space<hbm>>)
    return
  }
}

module attributes {stable_mosaic.version = 14 : i64} {
  func.func @_add_body_chain(%arg0: i32, %arg1: memref<8192x1024xf32, #tpu.memory_space<any>>, %arg2: memref<512x1024xf32, #tpu.memory_space<vmem>>, %arg3: memref<512x1024xf32, #tpu.memory_space<vmem>>, %arg4: memref<2x1024xf32, #tpu.memory_space<vmem>>, %arg5: memref<1x512x2xf32, #tpu.memory_space<vmem>>, %arg6: memref<512x1024xf32, #tpu.memory_space<vmem>>) attributes {dimension_semantics = [#tpu.dimension_semantics<arbitrary>], iteration_bounds = array<i64: 4>, scalar_prefetch = 0 : i64, scratch_operands = 0 : i64, tpu.core_type = #tpu.core_type<tc>, window_params = [{}, {transform_indices = @transform_1, window_bounds = array<i64: 512, 1024>}, {transform_indices = @transform_2, window_bounds = array<i64: 512, 1024>}, {pipeline_mode = #tpu.pipeline_mode<synchronous>, transform_indices = @transform_3, window_bounds = array<i64: 2, 1024>}, {transform_indices = @transform_4, window_bounds = array<i64: 1, 512, 2>}, {transform_indices = @transform_5, window_bounds = array<i64: 512, 1024>}]} {
    %get3A = arith.constant 0 : index
    %get3A_0 = arith.constant 0 : index
    %get3A_1 = arith.constant 0 : index
    %get3A_2 = vector.load %arg5[%get3A, %get3A_0, %get3A_1] : memref<1x512x2xf32, #tpu.memory_space<vmem>>, vector<1x512x1xf32>
    %get3A_3 = vector.shape_cast %get3A_2 : vector<1x512x1xf32> to vector<512x1xf32>
    %gt3A = arith.constant 5.000000e-01 : f32
    %gt3A_4 = vector.broadcast %gt3A : f32 to vector<512x1xf32>
    %gt3A_5 = arith.cmpf ogt, %get3A_3, %gt3A_4 : vector<512x1xf32>
    %get3A_6 = arith.constant 0 : index
    %get3A_7 = arith.constant 0 : index
    %get3A_8 = vector.load %arg4[%get3A_6, %get3A_7] : memref<2x1024xf32, #tpu.memory_space<vmem>>, vector<1x1024xf32>
    %get3A_9 = arith.constant 1 : index
    %get3A_10 = arith.constant 0 : index
    %get3A_11 = vector.load %arg4[%get3A_9, %get3A_10] : memref<2x1024xf32, #tpu.memory_space<vmem>>, vector<1x1024xf32>
    %broadcast_in_dim3A = vector.shape_cast %gt3A_5 : vector<512x1xi1> to vector<512x1xi1>
    %broadcast_in_dim3A_12 = vector.broadcast %broadcast_in_dim3A : vector<512x1xi1> to vector<512x1024xi1>
    %broadcast_in_dim3A_13 = vector.shape_cast %get3A_8 : vector<1x1024xf32> to vector<1x1024xf32>
    %broadcast_in_dim3A_14 = vector.broadcast %broadcast_in_dim3A_13 : vector<1x1024xf32> to vector<512x1024xf32>
    %broadcast_in_dim3A_15 = vector.shape_cast %get3A_11 : vector<1x1024xf32> to vector<1x1024xf32>
    %broadcast_in_dim3A_16 = vector.broadcast %broadcast_in_dim3A_15 : vector<1x1024xf32> to vector<512x1024xf32>
    %select_n3A = arith.select %broadcast_in_dim3A_12, %broadcast_in_dim3A_14, %broadcast_in_dim3A_16 : vector<512x1024xi1>, vector<512x1024xf32>
    %get3A_17 = arith.constant 0 : index
    %get3A_18 = arith.constant 0 : index
    %get3A_19 = vector.load %arg2[%get3A_17, %get3A_18] : memref<512x1024xf32, #tpu.memory_space<vmem>>, vector<512x1024xf32>
    %get3A_20 = arith.constant 0 : index
    %get3A_21 = arith.constant 0 : index
    %get3A_22 = vector.load %arg3[%get3A_20, %get3A_21] : memref<512x1024xf32, #tpu.memory_space<vmem>>, vector<512x1024xf32>
    %add3A = arith.addf %get3A_19, %get3A_22 : vector<512x1024xf32>
    %add3A_23 = arith.addf %add3A, %select_n3A : vector<512x1024xf32>
    %swap3A = arith.constant 0 : index
    %swap3A_24 = arith.constant 0 : index
    %swap3A_25 = vector.load %arg6[%swap3A, %swap3A_24] : memref<512x1024xf32, #tpu.memory_space<vmem>>, vector<512x1024xf32>
    tpu.vector_store %arg6[%swap3A, %swap3A_24], %add3A_23 {strides = array<i32>} : memref<512x1024xf32, #tpu.memory_space<vmem>>, vector<512x1024xf32>,
    return
  }
  func.func @transform_1(%arg0: i32) -> (i32, i32) {
    %c0_i32 = arith.constant 0 : i32
    %c0_i32_0 = arith.constant 0 : i32
    return %arg0, %c0_i32 : i32, i32
  }
  func.func @transform_2(%arg0: i32) -> (i32, i32) {
    %c3_i32 = arith.constant 3 : i32
    %c0_i32 = arith.constant 0 : i32
    %c0_i32_0 = arith.constant 0 : i32
    return %c3_i32, %c0_i32 : i32, i32
  }
  func.func @transform_3(%arg0: i32) -> (i32, i32) {
    %c0_i32 = arith.constant 0 : i32
    %c0_i32_0 = arith.constant 0 : i32
    %c0_i32_1 = arith.constant 0 : i32
    return %c0_i32, %c0_i32_0 : i32, i32
  }
  func.func @transform_4(%arg0: i32) -> (i32, i32, i32) {
    %c3_i32 = arith.constant 3 : i32
    %c0_i32 = arith.constant 0 : i32
    %c0_i32_0 = arith.constant 0 : i32
    return %arg0, %c3_i32, %c0_i32 : i32, i32, i32
  }
  func.func @transform_5(%arg0: i32) -> (i32, i32) {
    %mul3A = arith.constant 4 : i32
    %mul3A_0 = arith.muli %arg0, %mul3A : i32
    %add3A = arith.constant 3 : i32
    %add3A_1 = arith.addi %mul3A_0, %add3A : i32
    %c0_i32 = arith.constant 0 : i32
    %c0_i32_2 = arith.constant 0 : i32
    return %add3A_1, %c0_i32 : i32, i32
  }
}

module attributes {stable_mosaic.version = 14 : i64} {
  func.func @_add_body_chain(%arg0: i32, %arg1: memref<8192x1024xf32, #tpu.memory_space<any>>, %arg2: memref<512x1024xf32, #tpu.memory_space<vmem>>, %arg3: memref<512x1024xf32, #tpu.memory_space<vmem>>, %arg4: memref<2x1024xf32, #tpu.memory_space<vmem>>, %arg5: memref<1x512x2xf32, #tpu.memory_space<vmem>>, %arg6: memref<512x1024xf32, #tpu.memory_space<vmem>>) attributes {dimension_semantics = [#tpu.dimension_semantics<arbitrary>], iteration_bounds = array<i64: 4>, scalar_prefetch = 0 : i64, scratch_operands = 0 : i64, tpu.core_type = #tpu.core_type<tc>, window_params = [{}, {transform_indices = @transform_1, window_bounds = array<i64: 512, 1024>}, {transform_indices = @transform_2, window_bounds = array<i64: 512, 1024>}, {pipeline_mode = #tpu.pipeline_mode<synchronous>, transform_indices = @transform_3, window_bounds = array<i64: 2, 1024>}, {transform_indices = @transform_4, window_bounds = array<i64: 1, 512, 2>}, {transform_indices = @transform_5, window_bounds = array<i64: 512, 1024>}]} {
    %get3A = arith.constant 0 : index
    %get3A_0 = arith.constant 0 : index
    %get3A_1 = arith.constant 0 : index
    %get3A_2 = vector.load %arg5[%get3A, %get3A_0, %get3A_1] : memref<1x512x2xf32, #tpu.memory_space<vmem>>, vector<1x512x1xf32>
    %get3A_3 = vector.shape_cast %get3A_2 : vector<1x512x1xf32> to vector<512x1xf32>
    %gt3A = arith.constant 5.000000e-01 : f32
    %gt3A_4 = vector.broadcast %gt3A : f32 to vector<512x1xf32>
    %gt3A_5 = arith.cmpf ogt, %get3A_3, %gt3A_4 : vector<512x1xf32>
    %get3A_6 = arith.constant 0 : index
    %get3A_7 = arith.constant 0 : index
    %get3A_8 = vector.load %arg4[%get3A_6, %get3A_7] : memref<2x1024xf32, #tpu.memory_space<vmem>>, vector<1x1024xf32>
    %get3A_9 = arith.constant 1 : index
    %get3A_10 = arith.constant 0 : index
    %get3A_11 = vector.load %arg4[%get3A_9, %get3A_10] : memref<2x1024xf32, #tpu.memory_space<vmem>>, vector<1x1024xf32>
    %broadcast_in_dim3A = vector.shape_cast %gt3A_5 : vector<512x1xi1> to vector<512x1xi1>
    %broadcast_in_dim3A_12 = vector.broadcast %broadcast_in_dim3A : vector<512x1xi1> to vector<512x1024xi1>
    %broadcast_in_dim3A_13 = vector.shape_cast %get3A_8 : vector<1x1024xf32> to vector<1x1024xf32>
    %broadcast_in_dim3A_14 = vector.broadcast %broadcast_in_dim3A_13 : vector<1x1024xf32> to vector<512x1024xf32>
    %broadcast_in_dim3A_15 = vector.shape_cast %get3A_11 : vector<1x1024xf32> to vector<1x1024xf32>
    %broadcast_in_dim3A_16 = vector.broadcast %broadcast_in_dim3A_15 : vector<1x1024xf32> to vector<512x1024xf32>
    %select_n3A = arith.select %broadcast_in_dim3A_12, %broadcast_in_dim3A_14, %broadcast_in_dim3A_16 : vector<512x1024xi1>, vector<512x1024xf32>
    %get3A_17 = arith.constant 0 : index
    %get3A_18 = arith.constant 0 : index
    %get3A_19 = vector.load %arg2[%get3A_17, %get3A_18] : memref<512x1024xf32, #tpu.memory_space<vmem>>, vector<512x1024xf32>
    %get3A_20 = arith.constant 0 : index
    %get3A_21 = arith.constant 0 : index
    %get3A_22 = vector.load %arg3[%get3A_20, %get3A_21] : memref<512x1024xf32, #tpu.memory_space<vmem>>, vector<512x1024xf32>
    %add3A = arith.addf %get3A_19, %get3A_22 : vector<512x1024xf32>
    %add3A_23 = arith.addf %add3A, %select_n3A : vector<512x1024xf32>
    %swap3A = arith.constant 0 : index
    %swap3A_24 = arith.constant 0 : index
    %swap3A_25 = vector.load %arg6[%swap3A, %swap3A_24] : memref<512x1024xf32, #tpu.memory_space<vmem>>, vector<512x1024xf32>
    tpu.vector_store %arg6[%swap3A, %swap3A_24], %add3A_23 {strides = array<i32>} : memref<512x1024xf32, #tpu.memory_space<vmem>>, vector<512x1024xf32>,
    return
  }
  func.func @transform_1(%arg0: i32) -> (i32, i32) {
    %c0_i32 = arith.constant 0 : i32
    %c0_i32_0 = arith.constant 0 : i32
    return %arg0, %c0_i32 : i32, i32
  }
  func.func @transform_2(%arg0: i32) -> (i32, i32) {
    %c2_i32 = arith.constant 2 : i32
    %c0_i32 = arith.constant 0 : i32
    %c0_i32_0 = arith.constant 0 : i32
    return %c2_i32, %c0_i32 : i32, i32
  }
  func.func @transform_3(%arg0: i32) -> (i32, i32) {
    %c0_i32 = arith.constant 0 : i32
    %c0_i32_0 = arith.constant 0 : i32
    %c0_i32_1 = arith.constant 0 : i32
    return %c0_i32, %c0_i32_0 : i32, i32
  }
  func.func @transform_4(%arg0: i32) -> (i32, i32, i32) {
    %c2_i32 = arith.constant 2 : i32
    %c0_i32 = arith.constant 0 : i32
    %c0_i32_0 = arith.constant 0 : i32
    return %arg0, %c2_i32, %c0_i32 : i32, i32, i32
  }
  func.func @transform_5(%arg0: i32) -> (i32, i32) {
    %mul3A = arith.constant 4 : i32
    %mul3A_0 = arith.muli %arg0, %mul3A : i32
    %add3A = arith.constant 2 : i32
    %add3A_1 = arith.addi %mul3A_0, %add3A : i32
    %c0_i32 = arith.constant 0 : i32
    %c0_i32_2 = arith.constant 0 : i32
    return %add3A_1, %c0_i32 : i32, i32
  }
}

module attributes {stable_mosaic.version = 14 : i64} {
  func.func @_add_body_chain(%arg0: i32, %arg1: memref<8192x1024xf32, #tpu.memory_space<any>>, %arg2: memref<512x1024xf32, #tpu.memory_space<vmem>>, %arg3: memref<512x1024xf32, #tpu.memory_space<vmem>>, %arg4: memref<2x1024xf32, #tpu.memory_space<vmem>>, %arg5: memref<1x512x2xf32, #tpu.memory_space<vmem>>, %arg6: memref<512x1024xf32, #tpu.memory_space<vmem>>) attributes {dimension_semantics = [#tpu.dimension_semantics<arbitrary>], iteration_bounds = array<i64: 4>, scalar_prefetch = 0 : i64, scratch_operands = 0 : i64, tpu.core_type = #tpu.core_type<tc>, window_params = [{}, {transform_indices = @transform_1, window_bounds = array<i64: 512, 1024>}, {transform_indices = @transform_2, window_bounds = array<i64: 512, 1024>}, {pipeline_mode = #tpu.pipeline_mode<synchronous>, transform_indices = @transform_3, window_bounds = array<i64: 2, 1024>}, {transform_indices = @transform_4, window_bounds = array<i64: 1, 512, 2>}, {transform_indices = @transform_5, window_bounds = array<i64: 512, 1024>}]} {
    %get3A = arith.constant 0 : index
    %get3A_0 = arith.constant 0 : index
    %get3A_1 = arith.constant 0 : index
    %get3A_2 = vector.load %arg5[%get3A, %get3A_0, %get3A_1] : memref<1x512x2xf32, #tpu.memory_space<vmem>>, vector<1x512x1xf32>
    %get3A_3 = vector.shape_cast %get3A_2 : vector<1x512x1xf32> to vector<512x1xf32>
    %gt3A = arith.constant 5.000000e-01 : f32
    %gt3A_4 = vector.broadcast %gt3A : f32 to vector<512x1xf32>
    %gt3A_5 = arith.cmpf ogt, %get3A_3, %gt3A_4 : vector<512x1xf32>
    %get3A_6 = arith.constant 0 : index
    %get3A_7 = arith.constant 0 : index
    %get3A_8 = vector.load %arg4[%get3A_6, %get3A_7] : memref<2x1024xf32, #tpu.memory_space<vmem>>, vector<1x1024xf32>
    %get3A_9 = arith.constant 1 : index
    %get3A_10 = arith.constant 0 : index
    %get3A_11 = vector.load %arg4[%get3A_9, %get3A_10] : memref<2x1024xf32, #tpu.memory_space<vmem>>, vector<1x1024xf32>
    %broadcast_in_dim3A = vector.shape_cast %gt3A_5 : vector<512x1xi1> to vector<512x1xi1>
    %broadcast_in_dim3A_12 = vector.broadcast %broadcast_in_dim3A : vector<512x1xi1> to vector<512x1024xi1>
    %broadcast_in_dim3A_13 = vector.shape_cast %get3A_8 : vector<1x1024xf32> to vector<1x1024xf32>
    %broadcast_in_dim3A_14 = vector.broadcast %broadcast_in_dim3A_13 : vector<1x1024xf32> to vector<512x1024xf32>
    %broadcast_in_dim3A_15 = vector.shape_cast %get3A_11 : vector<1x1024xf32> to vector<1x1024xf32>
    %broadcast_in_dim3A_16 = vector.broadcast %broadcast_in_dim3A_15 : vector<1x1024xf32> to vector<512x1024xf32>
    %select_n3A = arith.select %broadcast_in_dim3A_12, %broadcast_in_dim3A_14, %broadcast_in_dim3A_16 : vector<512x1024xi1>, vector<512x1024xf32>
    %get3A_17 = arith.constant 0 : index
    %get3A_18 = arith.constant 0 : index
    %get3A_19 = vector.load %arg2[%get3A_17, %get3A_18] : memref<512x1024xf32, #tpu.memory_space<vmem>>, vector<512x1024xf32>
    %get3A_20 = arith.constant 0 : index
    %get3A_21 = arith.constant 0 : index
    %get3A_22 = vector.load %arg3[%get3A_20, %get3A_21] : memref<512x1024xf32, #tpu.memory_space<vmem>>, vector<512x1024xf32>
    %add3A = arith.addf %get3A_19, %get3A_22 : vector<512x1024xf32>
    %add3A_23 = arith.addf %add3A, %select_n3A : vector<512x1024xf32>
    %swap3A = arith.constant 0 : index
    %swap3A_24 = arith.constant 0 : index
    %swap3A_25 = vector.load %arg6[%swap3A, %swap3A_24] : memref<512x1024xf32, #tpu.memory_space<vmem>>, vector<512x1024xf32>
    tpu.vector_store %arg6[%swap3A, %swap3A_24], %add3A_23 {strides = array<i32>} : memref<512x1024xf32, #tpu.memory_space<vmem>>, vector<512x1024xf32>,
    return
  }
  func.func @transform_1(%arg0: i32) -> (i32, i32) {
    %c0_i32 = arith.constant 0 : i32
    %c0_i32_0 = arith.constant 0 : i32
    return %arg0, %c0_i32 : i32, i32
  }
  func.func @transform_2(%arg0: i32) -> (i32, i32) {
    %c1_i32 = arith.constant 1 : i32
    %c0_i32 = arith.constant 0 : i32
    %c0_i32_0 = arith.constant 0 : i32
    return %c1_i32, %c0_i32 : i32, i32
  }
  func.func @transform_3(%arg0: i32) -> (i32, i32) {
    %c0_i32 = arith.constant 0 : i32
    %c0_i32_0 = arith.constant 0 : i32
    %c0_i32_1 = arith.constant 0 : i32
    return %c0_i32, %c0_i32_0 : i32, i32
  }
  func.func @transform_4(%arg0: i32) -> (i32, i32, i32) {
    %c1_i32 = arith.constant 1 : i32
    %c0_i32 = arith.constant 0 : i32
    %c0_i32_0 = arith.constant 0 : i32
    return %arg0, %c1_i32, %c0_i32 : i32, i32, i32
  }
  func.func @transform_5(%arg0: i32) -> (i32, i32) {
    %mul3A = arith.constant 4 : i32
    %mul3A_0 = arith.muli %arg0, %mul3A : i32
    %add3A = arith.constant 1 : i32
    %add3A_1 = arith.addi %mul3A_0, %add3A : i32
    %c0_i32 = arith.constant 0 : i32
    %c0_i32_2 = arith.constant 0 : i32
    return %add3A_1, %c0_i32 : i32, i32
  }
}

module attributes {stable_mosaic.version = 14 : i64} {
  func.func @_add_body_first(%arg0: i32, %arg1: memref<512x1024xf32, #tpu.memory_space<vmem>>, %arg2: memref<512x1024xf32, #tpu.memory_space<vmem>>, %arg3: memref<2x1024xf32, #tpu.memory_space<vmem>>, %arg4: memref<1x512x2xf32, #tpu.memory_space<vmem>>, %arg5: memref<512x1024xf32, #tpu.memory_space<vmem>>) attributes {dimension_semantics = [#tpu.dimension_semantics<arbitrary>], iteration_bounds = array<i64: 4>, scalar_prefetch = 0 : i64, scratch_operands = 0 : i64, tpu.core_type = #tpu.core_type<tc>, window_params = [{transform_indices = @transform_0, window_bounds = array<i64: 512, 1024>}, {transform_indices = @transform_1, window_bounds = array<i64: 512, 1024>}, {pipeline_mode = #tpu.pipeline_mode<synchronous>, transform_indices = @transform_2, window_bounds = array<i64: 2, 1024>}, {transform_indices = @transform_3, window_bounds = array<i64: 1, 512, 2>}, {transform_indices = @transform_4, window_bounds = array<i64: 512, 1024>}]} {
    %get3A = arith.constant 0 : index
    %get3A_0 = arith.constant 0 : index
    %get3A_1 = arith.constant 0 : index
    %get3A_2 = vector.load %arg4[%get3A, %get3A_0, %get3A_1] : memref<1x512x2xf32, #tpu.memory_space<vmem>>, vector<1x512x1xf32>
    %get3A_3 = vector.shape_cast %get3A_2 : vector<1x512x1xf32> to vector<512x1xf32>
    %gt3A = arith.constant 5.000000e-01 : f32
    %gt3A_4 = vector.broadcast %gt3A : f32 to vector<512x1xf32>
    %gt3A_5 = arith.cmpf ogt, %get3A_3, %gt3A_4 : vector<512x1xf32>
    %get3A_6 = arith.constant 0 : index
    %get3A_7 = arith.constant 0 : index
    %get3A_8 = vector.load %arg3[%get3A_6, %get3A_7] : memref<2x1024xf32, #tpu.memory_space<vmem>>, vector<1x1024xf32>
    %get3A_9 = arith.constant 1 : index
    %get3A_10 = arith.constant 0 : index
    %get3A_11 = vector.load %arg3[%get3A_9, %get3A_10] : memref<2x1024xf32, #tpu.memory_space<vmem>>, vector<1x1024xf32>
    %broadcast_in_dim3A = vector.shape_cast %gt3A_5 : vector<512x1xi1> to vector<512x1xi1>
    %broadcast_in_dim3A_12 = vector.broadcast %broadcast_in_dim3A : vector<512x1xi1> to vector<512x1024xi1>
    %broadcast_in_dim3A_13 = vector.shape_cast %get3A_8 : vector<1x1024xf32> to vector<1x1024xf32>
    %broadcast_in_dim3A_14 = vector.broadcast %broadcast_in_dim3A_13 : vector<1x1024xf32> to vector<512x1024xf32>
    %broadcast_in_dim3A_15 = vector.shape_cast %get3A_11 : vector<1x1024xf32> to vector<1x1024xf32>
    %broadcast_in_dim3A_16 = vector.broadcast %broadcast_in_dim3A_15 : vector<1x1024xf32> to vector<512x1024xf32>
    %select_n3A = arith.select %broadcast_in_dim3A_12, %broadcast_in_dim3A_14, %broadcast_in_dim3A_16 : vector<512x1024xi1>, vector<512x1024xf32>
    %get3A_17 = arith.constant 0 : index
    %get3A_18 = arith.constant 0 : index
    %get3A_19 = vector.load %arg1[%get3A_17, %get3A_18] : memref<512x1024xf32, #tpu.memory_space<vmem>>, vector<512x1024xf32>
    %get3A_20 = arith.constant 0 : index
    %get3A_21 = arith.constant 0 : index
    %get3A_22 = vector.load %arg2[%get3A_20, %get3A_21] : memref<512x1024xf32, #tpu.memory_space<vmem>>, vector<512x1024xf32>
    %add3A = arith.addf %get3A_19, %get3A_22 : vector<512x1024xf32>
    %add3A_23 = arith.addf %add3A, %select_n3A : vector<512x1024xf32>
    %swap3A = arith.constant 0 : index
    %swap3A_24 = arith.constant 0 : index
    %swap3A_25 = vector.load %arg5[%swap3A, %swap3A_24] : memref<512x1024xf32, #tpu.memory_space<vmem>>, vector<512x1024xf32>
    tpu.vector_store %arg5[%swap3A, %swap3A_24], %add3A_23 {strides = array<i32>} : memref<512x1024xf32, #tpu.memory_space<vmem>>, vector<512x1024xf32>,
    return
  }
  func.func @transform_0(%arg0: i32) -> (i32, i32) {
    %c0_i32 = arith.constant 0 : i32
    %c0_i32_0 = arith.constant 0 : i32
    return %arg0, %c0_i32 : i32, i32
  }
  func.func @transform_1(%arg0: i32) -> (i32, i32) {
    %c0_i32 = arith.constant 0 : i32
    %c0_i32_0 = arith.constant 0 : i32
    %c0_i32_1 = arith.constant 0 : i32
    return %c0_i32, %c0_i32_0 : i32, i32
  }
  func.func @transform_2(%arg0: i32) -> (i32, i32) {
    %c0_i32 = arith.constant 0 : i32
    %c0_i32_0 = arith.constant 0 : i32
    %c0_i32_1 = arith.constant 0 : i32
    return %c0_i32, %c0_i32_0 : i32, i32
  }
  func.func @transform_3(%arg0: i32) -> (i32, i32, i32) {
    %c0_i32 = arith.constant 0 : i32
    %c0_i32_0 = arith.constant 0 : i32
    %c0_i32_1 = arith.constant 0 : i32
    return %arg0, %c0_i32, %c0_i32_0 : i32, i32, i32
  }
  func.func @transform_4(%arg0: i32) -> (i32, i32) {
    %mul3A = arith.constant 4 : i32
    %mul3A_0 = arith.muli %arg0, %mul3A : i32
    %add3A = arith.constant 0 : i32
    %add3A_1 = arith.addi %mul3A_0, %add3A : i32
    %c0_i32 = arith.constant 0 : i32
    %c0_i32_2 = arith.constant 0 : i32
    return %add3A_1, %c0_i32 : i32, i32
  }
}

</mosaic_0001>

<sc_bundles>
// kernel: kernel.10.cloned.1.call-start
scs
__scs_entry_jumppad:
0x0: {  	(pc) =	sbr.rel $0x88, $3  }
0x1: {  	(tag) =	ssettag $0x0;
	lr =	simm.s32 $0x1  }
0x2: {  	[smem:$0x3F9C] =	sst lr;
	_ =	strace $0xD0000000  }
0x3: {  	_ = 	snop  }
0x4: {  	_ = 	snop  }
0x5: {  	_ = 	snop  }
0x6: {  	_ = 	snop  }
0x7: {  	_ = 	snop  }
__scs_overlays_trampoline_lowered:
0x8: {  	[smem:$0x3FAB] =	sst s0  }
0x9: {  	[smem:$0x3FAC] =	sst s1  }
0xa: {  	[smem:$0x3FAD] =	sst s2  }
0xb: {  	[smem:$0x3FAE] =	sst s3  }
0xc: {  	[smem:$0x3FAF] =	sst s4  }
0xd: {  	[smem:$0x3FB0] =	sst s5  }
0xe: {  	[smem:$0x3FB1] =	sst s6  }
0xf: {  	[smem:$0x3FB2] =	sst s7  }
0x10: {  	[smem:$0x3FB3] =	sst s8  }
0x11: {  	[smem:$0x3FB4] =	sst s9;
	s0 =	simm.s32 @!p0 $0x0  }
0x12: {  	s1 =	sld [smem:$0x3F9A];
	s0 =	simm.s32 @p0 $0x1  }
0x13: {  	[smem:$0x3FB5] =	sst s0;
	s0 =	simm.s32 @!p1 $0x0  }
0x14: {  	s2 =	sld [smem:$0x3F99];
	s0 =	simm.s32 @p1 $0x1  }
0x15: {  	[smem:$0x3FB6] =	sst s0;
	s0 =	simm.s32 @!p2 $0x0  }
0x16: {  	s3 =	sld [smem:$0x3FDB];
	s0 =	simm.s32 @p2 $0x1  }
0x17: {  	s4 =	simm.s32 $0x1BF5;
	[smem:$0x3FB8] =	sst s0  }
0x18: {  	s0 =	sld [smem:$0x3F9B];
	_ =	swait.ge [sflag:s4], $0x0  }
0x19: {  	s7 =	sld [smem:$0x3F9C]  }
0x1a: {  	s8 =	sadd.s32 $0xFFFFE003, lr  }
0x1b: {  	s9 =	sadd.s32 $0xFFFFFEF7, lr;
	s5 =	simm.s32 $0xFFFFFFFF;
	p2 =	slt.u32 s8, $0xFFFFF086  }
0x1c: {  	p1 =	slt.u32 s9, $0xF7A;
	s5 =	simm.s32 @!p2 $0x0  }
0x1d: {  	s5 =	simm.s32 @p1 $0x1;
	p0 =	seq.s32 s7, s2  }
0x1e: {  	s7 =	smul.u32 @!p0 $0xF7A, s2;
	p2 =	seq.s32 @!p0 s5, $0x0  }
0x1f: {  	s9 =	smul.u32 $0xF7A, s1;
	s8 =	simm.s32 @!p0 $0x1BF5;
	p2 =	por !p2, p0  }
0x20: {  	[sflag:s8] =	ssyncset.s32 @!p0 $0xFFFFF086;
	s6 =	sadd.s32 @!p0 s3, s7;
	s7 =	simm.s32 @!p0 $0x108  }
0x21: {  	s3 =	sadd.s32 s3, s9;
	s6 =	sadd.s32 @!p0 $0x88, s6;
	s7 =	simm.s32 @p2 $0x1082  }
0x22: {  	[simem:s7], [sflag:s8] =	dma.local @!p0 [hbm:s6], $0xF7A  }
0x23: {  	s9 =	sor.u32 $0xD0000000, s2;
	s6 =	simm.s32 $0x108;
	_ =	swait.ge @!p0 [sflag:s8], $0x0  }
0x24: {  	s3 =	sadd.s32 $0x88, s3;
	s6 =	simm.s32 @!p1 $0x1082;
	[sflag:s4] =	ssyncset.s32 $0xFFFFF086  }
0x25: {  	[simem:s6], [sflag:s4] =	dma.local [hbm:s3], $0xF7A  }
0x26: {  	[smem:$0x3F9C] =	sst s1;
	(tag) =	ssettag s2;
	_ =	strace s9  }
0x27: {  	s1 =	sld [smem:$0x3FAC]  }
0x28: {  	s2 =	sld [smem:$0x3FAD]  }
0x29: {  	s4 =	sld [smem:$0x3FAF]  }
0x2a: {  	p0 =	seq.s32 s5, $0x0;
	s5 =	sld [smem:$0x3FB0]  }
0x2b: {  	s6 =	sld [smem:$0x3FB1]  }
0x2c: {  	s7 =	sld [smem:$0x3FB2]  }
0x2d: {  	s3 =	simm.s32 $0x108;
	s8 =	sld [smem:$0x3FB3]  }
0x2e: {  	s3 =	simm.s32 @!p0 $0x1082;
	s9 =	sld [smem:$0x3FB4]  }
0x2f: {  	lr =	sadd.s32 s0, s3;
	s0 =	sld [smem:$0x3FAB]  }
0x30: {  	s3 =	sld [smem:$0x3FAE]  }
0x31: {  	[smem:$0x3FB7] =	sst s10  }
0x32: {  	s10 =	sld [smem:$0x3FB5];
	_ =	sdelay $0x3  }
0x33: {  	p0 =	seq.s32 s10, $0x1;
	s10 =	sld [smem:$0x3FB7];
	_ =	sdelay $0x3  }
0x34: {  	[smem:$0x3FB7] =	sst s10  }
0x35: {  	s10 =	sld [smem:$0x3FB6];
	_ =	sdelay $0x3  }
0x36: {  	p1 =	seq.s32 s10, $0x1;
	s10 =	sld [smem:$0x3FB7];
	_ =	sdelay $0x3  }
0x37: {  	[smem:$0x3FB7] =	sst s10  }
0x38: {  	s10 =	sld [smem:$0x3FB8]  }
0x39: {  	_ = 	snop;
	(pc) =	sbr.ind lr, $3  }
0x3a: {  	_ = 	snop  }
0x3b: {  	_ = 	snop  }
0x3c: {  	p2 =	seq.s32 s10, $0x1;
	s10 =	sld [smem:$0x3FB7]  }
0x3d: {  	_ =	shalt  }
0x3e: {  	_ =	shalt  }
0x3f: {  	_ =	shalt  }
0x40: {  	_ =	shalt  }
0x41: {  	_ =	shalt  }
0x42: {  	_ =	shalt  }
0x43: {  	_ =	shalt  }
0x44: {  	_ =	shalt  }
0x45: {  	_ =	shalt  }
0x46: {  	_ =	shalt  }
0x47: {  	_ =	shalt  }
0x48: {  	_ =	shalt  }
0x49: {  	_ =	shalt  }
0x4a: {  	_ =	shalt  }
0x4b: {  	_ =	shalt  }
0x4c: {  	_ =	shalt  }
0x4d: {  	_ =	shalt  }
0x4e: {  	_ =	shalt  }
0x4f: {  	_ =	shalt  }
0x50: {  	_ =	shalt  }
0x51: {  	_ =	shalt  }
0x52: {  	_ =	shalt  }
0x53: {  	_ =	shalt  }
0x54: {  	_ =	shalt  }
0x55: {  	_ =	shalt  }
0x56: {  	_ =	shalt  }
0x57: {  	_ =	shalt  }
0x58: {  	_ =	shalt  }
0x59: {  	_ =	shalt  }
0x5a: {  	_ =	shalt  }
0x5b: {  	_ =	shalt  }
0x5c: {  	_ =	shalt  }
0x5d: {  	_ =	shalt  }
0x5e: {  	_ =	shalt  }
0x5f: {  	_ =	shalt  }
0x60: {  	_ =	shalt  }
0x61: {  	_ =	shalt  }
0x62: {  	_ =	shalt  }
0x63: {  	_ =	shalt  }
0x64: {  	_ =	shalt  }
0x65: {  	_ =	shalt  }
0x66: {  	_ =	shalt  }
0x67: {  	_ =	shalt  }
0x68: {  	_ =	shalt  }
0x69: {  	_ =	shalt  }
0x6a: {  	_ =	shalt  }
0x6b: {  	_ =	shalt  }
0x6c: {  	_ =	shalt  }
0x6d: {  	_ =	shalt  }
0x6e: {  	_ =	shalt  }
0x6f: {  	_ =	shalt  }
0x70: {  	_ =	shalt  }
0x71: {  	_ =	shalt  }
0x72: {  	_ =	shalt  }
0x73: {  	_ =	shalt  }
0x74: {  	_ =	shalt  }
0x75: {  	_ =	shalt  }
0x76: {  	_ =	shalt  }
0x77: {  	_ =	shalt  }
0x78: {  	_ =	shalt  }
0x79: {  	_ =	shalt  }
0x7a: {  	_ =	shalt  }
0x7b: {  	_ =	shalt  }
0x7c: {  	_ =	shalt  }
0x7d: {  	_ =	shalt  }
0x7e: {  	_ =	shalt  }
0x7f: {  	_ =	shalt  }
0x80: {  	_ =	shalt  }
0x81: {  	_ =	shalt  }
0x82: {  	_ =	shalt  }
0x83: {  	_ =	shalt  }
0x84: {  	_ =	shalt  }
0x85: {  	_ =	shalt  }
0x86: {  	_ =	shalt  }
0x87: {  	_ =	shalt  }
.Lfunc_end0:
.L_simem_size_0:
called_computation_lowered:
.L_overlay_start_0:
0x88: {  	s2 =	sld [smem:$0x3FD9]  }
0x89: {  	s3 =	sld [smem:$0x3FFE];
	_ =	sdelay $0x1  }
0x8a: {  	s1 =	srdreg.scid  }
0x8b: {  	s0 =	sand.u32 $0x1, s1  }
0x8c: {  	s18 =	sshll.u32 s0, $0xA;
	s2 =	sadd.s32 s3, s2  }
0x8d: {  	s2 =	sadd.s32 s2, s18  }
0x8e: {  	[smem:$0x3FC3] =	sst s2  }
0x8f: {  	_ = 	snop  }
0x90: {  	s2 =	sld [smem:$0x3FC9]  }
0x91: {  	s19 =	sld [smem:$0x3FC7]  }
0x92: {  	s4 =	sld [smem:$0x3FD0];
	(tm) =	ssettm $0x1  }
0x93: {  	s5 =	sld [smem:$0x3FFB];
	_ =	sdelay $0x3  }
0x94: {  	_ =	strace s5  }
0x95: {  	s5 =	sld [smem:$0x3FFC];
	_ =	sdelay $0x3  }
0x96: {  	_ =	strace s5  }
0x97: {  	s5 =	sld [smem:$0x3FFD];
	_ =	sdelay $0x3  }
0x98: {  	_ =	strace s5  }
0x99: {  	_ =	strace $0x8FFFFFFF  }
0x9a: {  	s20 =	sld [smem:$0x3FDB];
	_ =	sdelay $0x1  }
0x9b: {  	s6 =	simm.s32 $_scs_section_size  }
0x9c: {  	s7 =	simm.s32 $_size__tile_overlayer_lowered;
	s8 =	simm.s32 $_tile_overlayer_lowered  }
0x9d: {  	s23 =	simm.s32 $0x1BFF;
	s22 =	sshll.u32 s8, $0x1;
	s5 =	sadd.s32 s6, s20  }
0x9e: {  	s9 =	simm.s32 $0x0;
	s21 =	sshll.u32 s7, $0x1;
	s7 =	sadd.s32 s22, s5  }
0x9f: {  	[timem:s9], [sflag:s23] =	dma.local [hbm:s7], s21  }
0xa0: {  	_ =	swait.ge [sflag:s23], s21  }
0xa1: {  	s6 =	ssub.s32 $0x0, s21;
	[sflag:s23] =	ssyncset.done $0x0  }
0xa2: {  	[sflag:s23] =	ssyncadd.s32 s6;
	_ =	sdelay $0x1  }
0xa3: {  	s24 =	simm.s32 $0x1B8B  }
0xa4: {  	_ =	swait.ge [sflag:s24], $0x1  }
0xa5: {  	[sflag:s24] =	ssyncset.done $0x0  }
0xa6: {  	s25 =	simm.s32 $0x1B8E;
	[sflag:s24] =	ssyncadd.s32 $0xFFFFFFFF  }
0xa7: {  	s26 =	simm.s32 $execute0_lowered;
	[smem:$0x3FD2] =	sst s25  }
0xa8: {  	s6 =	sshll.u32 s26, $0x1;
	_ =	strace $0x80000046;
	[dreg:$0x1] =	wrdreg $0xFFFFFFFF  }
0xa9: {  	s28 =	simm.s32 $_size_execute0_lowered;
	s5 =	sadd.s32 s5, s6;
	[dreg:$0x0] =	wrdreg $0x0  }
0xaa: {  	s6 =	sshll.u32 s28, $0x1;
	[dreg:$0x2] =	wrdreg s5  }
0xab: {  	[dreg:$0x3] =	wrdreg s6  }
0xac: {  	[dreg:$0x4] =	wrdreg $0xC0  }
0xad: {  	_ =	task [dreg:s9], $0x5FFFF  }
0xae: {  	[dreg:$0x1] =	wrdreg $0xFFFFFFFF  }
0xaf: {  	[dreg:$0x0] =	wrdreg $0x60  }
0xb0: {  	[dreg:$0x2] =	wrdreg s2  }
0xb1: {  	[dreg:$0x3] =	wrdreg s19  }
0xb2: {  	[dreg:$0x4] =	wrdreg s4  }
0xb3: {  	[dreg:$0x5] =	wrdreg $0x9  }
0xb4: {  	_ =	task.clear_ibuf [dreg:s9], $0x6FFFF;
	_ =	strace $0x90000046  }
0xb5: {  	s29 =	simm.s32 $0x9;
	_ =	strace $0x80000048  }
0xb6: {  	_ =	swait.ge [sflag:s29], $0x1  }
0xb7: {  	[sflag:s29] =	ssyncadd.s32 $0xFFFFFFFF  }
0xb8: {  	_ =	strace $0x90000048  }
0xb9: {  	_ =	sfence  }
0xba: {  	s30 =	sld [smem:$0x0];
	_ =	sdelay $0x2  }
0xbb: {  	s31 =	sshll.u32 s1, $0xD;
	s1 =	sshrl.u32 s1, $0x2  }
0xbc: {  	s3 =	sand.u32 $0x4000, s31;
	s1 =	sadd.s32 s1, s30  }
0xbd: {  	s0 =	sor.u32 s3, s0;
	s1 =	sshll.u32 s1, $0x11  }
0xbe: {  	s0 =	sor.u32 s1, s0  }
0xbf: {  	s0 =	sadd.s32 $0x8F2B, s0  }
0xc0: {  	[sflag:s0] =	ssyncadd.remote.s32 $0x1  }
0xc1: {  	_ =	sfence.sel $0xFFFF  }
0xc2: {  	[dreg:$0x0] =	wrdreg $0xFFFFFFFF;
	(pc) =	sbr.abs _section_cstart, $3  }
0xc3: {  	[dreg:$0x1] =	wrdreg $0xFFFFFFFF  }
0xc4: {  	_ =	task.clear_ibuf [dreg:s9], $0x2FFFF;
	_ =	strace $0x9FFFFFFF  }
0xc5: {  	(tm) =	ssettm $0x7FFFFFFF  }
tec
execute0_lowered:
.L_overlay_start_1:
0x0: {  	(tag) =	ssettag $0x1  }
0x1: {  	s0 =	rddreg [dreg:$0x0]  }
0x2: {  	s2 =	rddreg [dreg:$0x1]  }
0x3: {  	s4 =	rddreg [dreg:$0x2]  }
0x4: {  	s1 =	stileid.u32;
	s5 =	srdreg.scid;
	s3 =	simm.s32 $0x0  }
0x5: {  	s11 =	simm.s32 $0x880;
	s12 =	simm.s32 $0x1080;
	[smem:$0x7FF] =	sst s3  }
0x6: {  	s13 =	simm.s32 $0x1880;
	_ =	strace $0x80000047;
	[dreg:$0x6] =	wrdreg s11  }
0x7: {  	s14 =	simm.s32 $0x2080;
	s15 =	simm.s32 $0x2880;
	[dreg:$0x7] =	wrdreg s12  }
0x8: {  	s16 =	simm.s32 $0x3080;
	s17 =	simm.s32 $0x3880;
	[dreg:$0x8] =	wrdreg s13  }
0x9: {  	s18 =	simm.s32 $0x4080;
	s20 =	simm.s32 $0x4880;
	[dreg:$0x9] =	wrdreg s14  }
0xa: {  	s22 =	simm.s32 $0x5080;
	s23 =	simm.s32 $0x5880;
	[dreg:$0xa] =	wrdreg s15  }
0xb: {  	s24 =	simm.s32 $0x6080;
	s25 =	simm.s32 $0x6880;
	[dreg:$0xb] =	wrdreg s16  }
0xc: {  	s26 =	simm.s32 $0x7080;
	s28 =	simm.s32 $0xF880;
	[dreg:$0xc] =	wrdreg s17  }
0xd: {  	s29 =	simm.s32 $0x1;
	s30 =	simm.s32 $0x2;
	[dreg:$0xd] =	wrdreg s18  }
0xe: {  	s31 =	simm.s32 $0x3;
	s6 =	sshll.u32 s1, $0x1;
	[dreg:$0xe] =	wrdreg s20  }
0xf: {  	s5 =	sand.u32 $0x1, s5;
	s7 =	sshrl.u32 s1, $0x2;
	[dreg:$0xf] =	wrdreg s22  }
0x10: {  	s8 =	sshll.u32 s1, $0x6;
	s6 =	sand.u32 $0x6, s6;
	[dreg:$0x10] =	wrdreg s23  }
0x11: {  	s9 =	sshll.u32 s5, $0x3;
	s8 =	sand.u32 $0xC0, s8;
	[dreg:$0x11] =	wrdreg s24  }
0x12: {  	s10 =	sshll.u32 s7, $0x4;
	s7 =	sshll.u32 s7, $0x10;
	[dreg:$0x12] =	wrdreg s25  }
0x13: {  	[dreg:$0x13] =	wrdreg s26;
	s12 =	simm.s32 $0x8080;
	s13 =	simm.s32 $0x8880  }
0x14: {  	s14 =	simm.s32 $0x9080;
	s15 =	simm.s32 $0x9880;
	s16 =	simm.s32 $0xA080  }
0x15: {  	s17 =	simm.s32 $0xA880;
	s18 =	simm.s32 $0xB080;
	s20 =	simm.s32 $0xC080  }
0x16: {  	s22 =	simm.s32 $0xD080;
	s23 =	simm.s32 $0xD880;
	s24 =	simm.s32 $0xE080  }
0x17: {  	s25 =	simm.s32 $0xE880;
	s26 =	simm.s32 $0xF080;
	s6 =	sor.u32 s5, s6  }
0x18: {  	s8 =	sor.u32 s10, s8;
	s5 =	ssub.s32 $0x2, s5;
	s6 =	sshll.u32 s6, $0xD  }
0x19: {  	s8 =	sor.u32 s9, s8;
	s19 =	sshrl.u32 s5, $0x1;
	s9 =	simm.s32 $0x5  }
0x1a: {  	s6 =	sor.u32 s7, s6;
	s0 =	sadd.s32 s0, s8;
	s21 =	ssub.s32 s5, s19  }
0x1b: {  	s5 =	sadd.s32 $0x100, s2;
	s7 =	sadd.s32 $0x300, s2;
	s19 =	simm.s32 $0xB880  }
0x1c: {  	v2 =	vlaneseq.u32;
	s4 =	sadd.s32 s4, s6;
	[dreg:$0x4] =	wrdreg s0;
	s6 =	sadd.s32 $0x200, s2  }
0x1d: {  	vm0 =	vmmov $0xffff;
	v1 =	vshrl.u32 v2, $0x3;
	s8 =	smax.u32 s21, $0x1;
	s21 =	simm.s32 $0xC880;
	s10 =	sadd.s32 $0x1000, s4  }
0x1e: {  	v0 =	vand.u32 $0x7, v2;
	v2 =	vor.u32 $0x8, v2;
	v1 =	vmul.u32 $0x8, v1;
	s0 =	simm.s32 $0x4;
	[dreg:$0x5] =	wrdreg s10;
	s10 =	simm.s32 $0x80  }
.LBB2_1:
0x1f: {  	s1 =	rddreg [dreg:$0x4]  }
0x20: {  	[tilespmem:s3], [sflag:$0x5] =	stream.linear.gather [hbm4b:s1+s3], $0x40, $0x38;
	[tilespmem:$0x18080] =	vst v63  }
0x21: {  	_ =	swait.ge [sflag:s9], $0x40  }
0x22: {  	[sflag:s9] =	ssyncset.done $0x0  }
0x23: {  	[sflag:s9] =	ssyncadd.s32 $0xFFFFFFC0  }
0x24: {  	v3 =	vld [tilespmem:$0x0];
	_ =	sdelay $0x4  }
0x25: {  	v4 =	vshll.u32 v3, $0x3  }
0x26: {  	v3 =	vand.u32 $0x7, v3;
	v4 =	vand.u32 $0xFFFFFFC0, v4  }
0x27: {  	v3 =	vor.u32 v3, v4  }
0x28: {  	v4 =	vperm.xlane v3, v0;
	_ =	sdelay $0x1  }
0x29: {  	v4 =	vadd.s32 v1, v4;
	_ =	sdelay $0x4  }
0x2a: {  	[tilespmem:s10], [sflag:$0x1] =	stream.indirect_vreg.gather [hbm4b:s2+s3], $0x80, v4, vm0, $0xb8;
	[tilespmem:$0x18080] =	vst v63  }
0x2b: {  	s1 =	rddreg [dreg:$0x6];
	v3 =	vperm.xlane v3, v2  }
0x2c: {  	[tilespmem:s1], [sflag:$0x1] =	stream.indirect_vreg.gather [hbm4b:s5+s3], $0x80, v4, vm0, $0xb8;
	[tilespmem:$0x18080] =	vst v63  }
0x2d: {  	s11 =	rddreg [dreg:$0x7];
	v3 =	vadd.s32 v1, v3  }
0x2e: {  	[tilespmem:s11], [sflag:$0x1] =	stream.indirect_vreg.gather [hbm4b:s6+s3], $0x80, v4, vm0, $0xb8;
	[tilespmem:$0x18080] =	vst v63  }
0x2f: {  	s1 =	rddreg [dreg:$0x8]  }
0x30: {  	[tilespmem:s1], [sflag:$0x1] =	stream.indirect_vreg.gather [hbm4b:s7+s3], $0x80, v4, vm0, $0xb8;
	[tilespmem:$0x18080] =	vst v63  }
0x31: {  	s11 =	rddreg [dreg:$0x9]  }
0x32: {  	[tilespmem:s11], [sflag:$0x1] =	stream.indirect_vreg.gather [hbm4b:s2+s3], $0x80, v3, vm0, $0xb8;
	[tilespmem:$0x18080] =	vst v63  }
0x33: {  	s1 =	rddreg [dreg:$0xa]  }
0x34: {  	[tilespmem:s1], [sflag:$0x1] =	stream.indirect_vreg.gather [hbm4b:s5+s3], $0x80, v3, vm0, $0xb8;
	[tilespmem:$0x18080] =	vst v63  }
0x35: {  	s11 =	rddreg [dreg:$0xb]  }
0x36: {  	[tilespmem:s11], [sflag:$0x1] =	stream.indirect_vreg.gather [hbm4b:s6+s3], $0x80, v3, vm0, $0xb8;
	[tilespmem:$0x18080] =	vst v63  }
0x37: {  	s1 =	rddreg [dreg:$0xc]  }
0x38: {  	[tilespmem:s1], [sflag:$0x1] =	stream.indirect_vreg.gather [hbm4b:s7+s3], $0x80, v3, vm0, $0xb8;
	[tilespmem:$0x18080] =	vst v63  }
0x39: {  	v3 =	vld [tilespmem:$0x10];
	_ =	sdelay $0x4  }
0x3a: {  	v61 =	vshll.u32 v3, $0x3  }
0x3b: {  	v3 =	vand.u32 $0x7, v3;
	v4 =	vand.u32 $0xFFFFFFC0, v61  }
0x3c: {  	v3 =	vor.u32 v3, v4  }
0x3d: {  	v4 =	vperm.xlane v3, v0;
	_ =	sdelay $0x1  }
0x3e: {  	v4 =	vadd.s32 v1, v4;
	_ =	sdelay $0x3  }
0x3f: {  	s1 =	rddreg [dreg:$0xd]  }
0x40: {  	[tilespmem:s1], [sflag:$0x1] =	stream.indirect_vreg.gather [hbm4b:s2+s3], $0x80, v4, vm0, $0xb8;
	[tilespmem:$0x18080] =	vst v63  }
0x41: {  	s11 =	rddreg [dreg:$0xe];
	v3 =	vperm.xlane v3, v2  }
0x42: {  	[tilespmem:s11], [sflag:$0x1] =	stream.indirect_vreg.gather [hbm4b:s5+s3], $0x80, v4, vm0, $0xb8;
	[tilespmem:$0x18080] =	vst v63  }
0x43: {  	v3 =	vadd.s32 v1, v3;
	s1 =	rddreg [dreg:$0xf]  }
0x44: {  	[tilespmem:s1], [sflag:$0x1] =	stream.indirect_vreg.gather [hbm4b:s6+s3], $0x80, v4, vm0, $0xb8;
	[tilespmem:$0x18080] =	vst v63  }
0x45: {  	s11 =	rddreg [dreg:$0x10]  }
0x46: {  	[tilespmem:s11], [sflag:$0x1] =	stream.indirect_vreg.gather [hbm4b:s7+s3], $0x80, v4, vm0, $0xb8;
	[tilespmem:$0x18080] =	vst v63  }
0x47: {  	s1 =	rddreg [dreg:$0x11]  }
0x48: {  	[tilespmem:s1], [sflag:$0x1] =	stream.indirect_vreg.gather [hbm4b:s2+s3], $0x80, v3, vm0, $0xb8;
	[tilespmem:$0x18080] =	vst v63  }
0x49: {  	s11 =	rddreg [dreg:$0x12]  }
0x4a: {  	[tilespmem:s11], [sflag:$0x1] =	stream.indirect_vreg.gather [hbm4b:s5+s3], $0x80, v3, vm0, $0xb8;
	[tilespmem:$0x18080] =	vst v63  }
0x4b: {  	s1 =	rddreg [dreg:$0x13]  }
0x4c: {  	[tilespmem:s1], [sflag:$0x1] =	stream.indirect_vreg.gather [hbm4b:s6+s3], $0x80, v3, vm0, $0xb8;
	[tilespmem:$0x18080] =	vst v63  }
0x4d: {  	s11 =	simm.s32 $0x7880  }
0x4e: {  	[tilespmem:s11], [sflag:$0x1] =	stream.indirect_vreg.gather [hbm4b:s7+s3], $0x80, v3, vm0, $0xb8;
	[tilespmem:$0x18080] =	vst v63  }
0x4f: {  	v3 =	vld [tilespmem:$0x20];
	_ =	sdelay $0x4  }
0x50: {  	v62 =	vshll.u32 v3, $0x3  }
0x51: {  	v3 =	vand.u32 $0x7, v3;
	v4 =	vand.u32 $0xFFFFFFC0, v62  }
0x52: {  	v3 =	vor.u32 v3, v4  }
0x53: {  	v4 =	vperm.xlane v3, v0;
	_ =	sdelay $0x1  }
0x54: {  	v4 =	vadd.s32 v1, v4;
	_ =	sdelay $0x4  }
0x55: {  	[tilespmem:s12], [sflag:$0x2] =	stream.indirect_vreg.gather [hbm4b:s2+s3], $0x80, v4, vm0, $0xb8;
	[tilespmem:$0x18080] =	vst v63  }
0x56: {  	v3 =	vperm.xlane v3, v2  }
0x57: {  	[tilespmem:s13], [sflag:$0x2] =	stream.indirect_vreg.gather [hbm4b:s5+s3], $0x80, v4, vm0, $0xb8;
	[tilespmem:$0x18080] =	vst v63  }
0x58: {  	v3 =	vadd.s32 v1, v3  }
0x59: {  	[tilespmem:s14], [sflag:$0x2] =	stream.indirect_vreg.gather [hbm4b:s6+s3], $0x80, v4, vm0, $0xb8;
	[tilespmem:$0x18080] =	vst v63  }
0x5a: {  	_ = 	snop  }
0x5b: {  	[tilespmem:s15], [sflag:$0x2] =	stream.indirect_vreg.gather [hbm4b:s7+s3], $0x80, v4, vm0, $0xb8;
	[tilespmem:$0x18080] =	vst v63  }
0x5c: {  	_ = 	snop  }
0x5d: {  	[tilespmem:s16], [sflag:$0x2] =	stream.indirect_vreg.gather [hbm4b:s2+s3], $0x80, v3, vm0, $0xb8;
	[tilespmem:$0x18080] =	vst v63  }
0x5e: {  	_ = 	snop  }
0x5f: {  	[tilespmem:s17], [sflag:$0x2] =	stream.indirect_vreg.gather [hbm4b:s5+s3], $0x80, v3, vm0, $0xb8;
	[tilespmem:$0x18080] =	vst v63  }
0x60: {  	_ = 	snop  }
0x61: {  	[tilespmem:s18], [sflag:$0x2] =	stream.indirect_vreg.gather [hbm4b:s6+s3], $0x80, v3, vm0, $0xb8;
	[tilespmem:$0x18080] =	vst v63  }
0x62: {  	_ = 	snop  }
0x63: {  	[tilespmem:s19], [sflag:$0x2] =	stream.indirect_vreg.gather [hbm4b:s7+s3], $0x80, v3, vm0, $0xb8;
	[tilespmem:$0x18080] =	vst v63  }
0x64: {  	v3 =	vld [tilespmem:$0x30];
	_ =	sdelay $0x4  }
0x65: {  	v63 =	vshll.u32 v3, $0x3  }
0x66: {  	v3 =	vand.u32 $0x7, v3;
	v4 =	vand.u32 $0xFFFFFFC0, v63  }
0x67: {  	v3 =	vor.u32 v3, v4  }
0x68: {  	v4 =	vperm.xlane v3, v0;
	_ =	sdelay $0x1  }
0x69: {  	v4 =	vadd.s32 v1, v4;
	_ =	sdelay $0x4  }
0x6a: {  	[tilespmem:s20], [sflag:$0x2] =	stream.indirect_vreg.gather [hbm4b:s2+s3], $0x80, v4, vm0, $0xb8;
	[tilespmem:$0x18080] =	vst v63  }
0x6b: {  	v3 =	vperm.xlane v3, v2  }
0x6c: {  	[tilespmem:s21], [sflag:$0x2] =	stream.indirect_vreg.gather [hbm4b:s5+s3], $0x80, v4, vm0, $0xb8;
	[tilespmem:$0x18080] =	vst v63  }
0x6d: {  	v3 =	vadd.s32 v1, v3  }
0x6e: {  	[tilespmem:s22], [sflag:$0x2] =	stream.indirect_vreg.gather [hbm4b:s6+s3], $0x80, v4, vm0, $0xb8;
	[tilespmem:$0x18080] =	vst v63  }
0x6f: {  	_ = 	snop  }
0x70: {  	[tilespmem:s23], [sflag:$0x2] =	stream.indirect_vreg.gather [hbm4b:s7+s3], $0x80, v4, vm0, $0xb8;
	[tilespmem:$0x18080] =	vst v63  }
0x71: {  	_ = 	snop  }
0x72: {  	[tilespmem:s24], [sflag:$0x2] =	stream.indirect_vreg.gather [hbm4b:s2+s3], $0x80, v3, vm0, $0xb8;
	[tilespmem:$0x18080] =	vst v63  }
0x73: {  	_ = 	snop  }
0x74: {  	[tilespmem:s25], [sflag:$0x2] =	stream.indirect_vreg.gather [hbm4b:s5+s3], $0x80, v3, vm0, $0xb8;
	[tilespmem:$0x18080] =	vst v63  }
0x75: {  	_ = 	snop  }
0x76: {  	[tilespmem:s26], [sflag:$0x2] =	stream.indirect_vreg.gather [hbm4b:s6+s3], $0x80, v3, vm0, $0xb8;
	[tilespmem:$0x18080] =	vst v63  }
0x77: {  	_ = 	snop  }
0x78: {  	[tilespmem:s28], [sflag:$0x2] =	stream.indirect_vreg.gather [hbm4b:s7+s3], $0x80, v3, vm0, $0xb8;
	[tilespmem:$0x18080] =	vst v63  }
0x79: {  	_ =	swait.ge [sflag:s29], $0x8000  }
0x7a: {  	[sflag:s29] =	ssyncset.done $0x0  }
0x7b: {  	[sflag:s29] =	ssyncadd.s32 $0xFFFF8000  }
0x7c: {  	[hbm4b:s4+s3] =	stream.linear.scatter [tilespmem:s10], [sflag:$0x3], $0x8000, $0x38;
	[tilespmem:$0x18080] =	vst v63  }
0x7d: {  	_ =	swait.ge [sflag:s30], $0x8000  }
0x7e: {  	[sflag:s30] =	ssyncset.done $0x0  }
0x7f: {  	s11 =	rddreg [dreg:$0x5];
	[sflag:s30] =	ssyncadd.s32 $0xFFFF8000  }
0x80: {  	[hbm4b:s11+s3] =	stream.linear.scatter [tilespmem:s12], [sflag:$0x4], $0x8000, $0x38;
	[tilespmem:$0x18080] =	vst v63  }
0x81: {  	p0 =	sne.s32 s8, $0x1;
	_ =	swait.ge [sflag:s31], $0x8000  }
.Ltmp0:
0x82: {  	[sflag:s31] =	ssyncset.done $0x0;
	(pc) =	sbr.rel @p0 .LBB2_1-.Ltmp0, $4  }
0x83: {  	[sflag:s31] =	ssyncadd.s32 $0xFFFF8000  }
0x84: {  	_ =	swait.ge [sflag:s0], $0x8000  }
0x85: {  	[sflag:s0] =	ssyncset.done $0x0  }
0x86: {  	s8 =	sadd.s32 $0xFFFFFFFF, s8;
	[sflag:s0] =	ssyncadd.s32 $0xFFFF8000  }
0x87: {  	_ =	sfence.sel $0x180000  }
0x88: {  	[bflag:$0x0] =	sbarrier.arrive $0xFFFF  }
0x89: {  	_ =	strace $0x90000047  }
0x8a: {  	s0 =	stileid.u32;
	[bflag:$0x2] =	sbarrier.arrive $0xFFFF  }
0x8b: {  	p0 =	sne.s32 s0, $0x0;
	s0 =	rddreg [dreg:$0x3]  }
0x8c: {  	s0 =	sadd.s32 @!p0 $0x100000, s0  }
0x8d: {  	[sflag:s0] =	ssyncadd.tile.s32 @!p0 $0x1;
	_ =	shalt  }
.Lfunc_end2:
_tile_overlayer_lowered:
.L_overlay_start_2:
0x8e: {  	(tag) =	ssettag $0x2  }
0x8f: {  	s0 =	rddreg [dreg:$0x0];
	s2 =	stileid.u32  }
0x90: {  	s1 =	rddreg [dreg:$0x1];
	p0 =	sne.s32 s2, $0x0  }
0x91: {  	s3 =	rddreg [dreg:$0x2];
	[bflag:$0x3] =	sbarrier.arrive $0xFFFF;
	s2 =	simm.s32 @!p0 $0x1C05  }
0x92: {  	[timem:s3], [sflag:s2] =	dma.local @!p0 [hbm:s0], s1  }
0x93: {  	s0 =	simm.s32 @!p0 $0x5  }
0x94: {  	_ =	swait.ge @!p0 [sflag:s0], s1  }
0x95: {  	s1 =	ssub.s32 @!p0 $0x0, s1;
	[sflag:s0] =	ssyncset.done @!p0 $0x0  }
0x96: {  	[sflag:s0] =	ssyncadd.s32 @!p0 s1  }
0x97: {  	[bflag:$0x3] =	sbarrier.arrive $0xFFFF  }
0x98: {  	_ =	shalt  }

// kernel: kernel.13.cloned.1.call-start
scs
__scs_entry_jumppad:
0x0: {  	(pc) =	sbr.rel $0x88, $3  }
0x1: {  	(tag) =	ssettag $0x0;
	lr =	simm.s32 $0x1  }
0x2: {  	[smem:$0x3F9C] =	sst lr;
	_ =	strace $0xD0000000  }
0x3: {  	_ = 	snop  }
0x4: {  	_ = 	snop  }
0x5: {  	_ = 	snop  }
0x6: {  	_ = 	snop  }
0x7: {  	_ = 	snop  }
__scs_overlays_trampoline_lowered:
0x8: {  	[smem:$0x3FAB] =	sst s0  }
0x9: {  	[smem:$0x3FAC] =	sst s1  }
0xa: {  	[smem:$0x3FAD] =	sst s2  }
0xb: {  	[smem:$0x3FAE] =	sst s3  }
0xc: {  	[smem:$0x3FAF] =	sst s4  }
0xd: {  	[smem:$0x3FB0] =	sst s5  }
0xe: {  	[smem:$0x3FB1] =	sst s6  }
0xf: {  	[smem:$0x3FB2] =	sst s7  }
0x10: {  	[smem:$0x3FB3] =	sst s8  }
0x11: {  	[smem:$0x3FB4] =	sst s9;
	s0 =	simm.s32 @!p0 $0x0  }
0x12: {  	s1 =	sld [smem:$0x3F9A];
	s0 =	simm.s32 @p0 $0x1  }
0x13: {  	[smem:$0x3FB5] =	sst s0;
	s0 =	simm.s32 @!p1 $0x0  }
0x14: {  	s2 =	sld [smem:$0x3F99];
	s0 =	simm.s32 @p1 $0x1  }
0x15: {  	[smem:$0x3FB6] =	sst s0;
	s0 =	simm.s32 @!p2 $0x0  }
0x16: {  	s3 =	sld [smem:$0x3FDB];
	s0 =	simm.s32 @p2 $0x1  }
0x17: {  	s4 =	simm.s32 $0x1BF5;
	[smem:$0x3FB8] =	sst s0  }
0x18: {  	s0 =	sld [smem:$0x3F9B];
	_ =	swait.ge [sflag:s4], $0x0  }
0x19: {  	s7 =	sld [smem:$0x3F9C]  }
0x1a: {  	s8 =	sadd.s32 $0xFFFFE003, lr  }
0x1b: {  	s9 =	sadd.s32 $0xFFFFFEF7, lr;
	s5 =	simm.s32 $0xFFFFFFFF;
	p2 =	slt.u32 s8, $0xFFFFF086  }
0x1c: {  	p1 =	slt.u32 s9, $0xF7A;
	s5 =	simm.s32 @!p2 $0x0  }
0x1d: {  	s5 =	simm.s32 @p1 $0x1;
	p0 =	seq.s32 s7, s2  }
0x1e: {  	s7 =	smul.u32 @!p0 $0xF7A, s2;
	p2 =	seq.s32 @!p0 s5, $0x0  }
0x1f: {  	s9 =	smul.u32 $0xF7A, s1;
	s8 =	simm.s32 @!p0 $0x1BF5;
	p2 =	por !p2, p0  }
0x20: {  	[sflag:s8] =	ssyncset.s32 @!p0 $0xFFFFF086;
	s6 =	sadd.s32 @!p0 s3, s7;
	s7 =	simm.s32 @!p0 $0x108  }
0x21: {  	s3 =	sadd.s32 s3, s9;
	s6 =	sadd.s32 @!p0 $0x88, s6;
	s7 =	simm.s32 @p2 $0x1082  }
0x22: {  	[simem:s7], [sflag:s8] =	dma.local @!p0 [hbm:s6], $0xF7A  }
0x23: {  	s9 =	sor.u32 $0xD0000000, s2;
	s6 =	simm.s32 $0x108;
	_ =	swait.ge @!p0 [sflag:s8], $0x0  }
0x24: {  	s3 =	sadd.s32 $0x88, s3;
	s6 =	simm.s32 @!p1 $0x1082;
	[sflag:s4] =	ssyncset.s32 $0xFFFFF086  }
0x25: {  	[simem:s6], [sflag:s4] =	dma.local [hbm:s3], $0xF7A  }
0x26: {  	[smem:$0x3F9C] =	sst s1;
	(tag) =	ssettag s2;
	_ =	strace s9  }
0x27: {  	s1 =	sld [smem:$0x3FAC]  }
0x28: {  	s2 =	sld [smem:$0x3FAD]  }
0x29: {  	s4 =	sld [smem:$0x3FAF]  }
0x2a: {  	p0 =	seq.s32 s5, $0x0;
	s5 =	sld [smem:$0x3FB0]  }
0x2b: {  	s6 =	sld [smem:$0x3FB1]  }
0x2c: {  	s7 =	sld [smem:$0x3FB2]  }
0x2d: {  	s3 =	simm.s32 $0x108;
	s8 =	sld [smem:$0x3FB3]  }
0x2e: {  	s3 =	simm.s32 @!p0 $0x1082;
	s9 =	sld [smem:$0x3FB4]  }
0x2f: {  	lr =	sadd.s32 s0, s3;
	s0 =	sld [smem:$0x3FAB]  }
0x30: {  	s3 =	sld [smem:$0x3FAE]  }
0x31: {  	[smem:$0x3FB7] =	sst s10  }
0x32: {  	s10 =	sld [smem:$0x3FB5];
	_ =	sdelay $0x3  }
0x33: {  	p0 =	seq.s32 s10, $0x1;
	s10 =	sld [smem:$0x3FB7];
	_ =	sdelay $0x3  }
0x34: {  	[smem:$0x3FB7] =	sst s10  }
0x35: {  	s10 =	sld [smem:$0x3FB6];
	_ =	sdelay $0x3  }
0x36: {  	p1 =	seq.s32 s10, $0x1;
	s10 =	sld [smem:$0x3FB7];
	_ =	sdelay $0x3  }
0x37: {  	[smem:$0x3FB7] =	sst s10  }
0x38: {  	s10 =	sld [smem:$0x3FB8]  }
0x39: {  	_ = 	snop;
	(pc) =	sbr.ind lr, $3  }
0x3a: {  	_ = 	snop  }
0x3b: {  	_ = 	snop  }
0x3c: {  	p2 =	seq.s32 s10, $0x1;
	s10 =	sld [smem:$0x3FB7]  }
0x3d: {  	_ =	shalt  }
0x3e: {  	_ =	shalt  }
0x3f: {  	_ =	shalt  }
0x40: {  	_ =	shalt  }
0x41: {  	_ =	shalt  }
0x42: {  	_ =	shalt  }
0x43: {  	_ =	shalt  }
0x44: {  	_ =	shalt  }
0x45: {  	_ =	shalt  }
0x46: {  	_ =	shalt  }
0x47: {  	_ =	shalt  }
0x48: {  	_ =	shalt  }
0x49: {  	_ =	shalt  }
0x4a: {  	_ =	shalt  }
0x4b: {  	_ =	shalt  }
0x4c: {  	_ =	shalt  }
0x4d: {  	_ =	shalt  }
0x4e: {  	_ =	shalt  }
0x4f: {  	_ =	shalt  }
0x50: {  	_ =	shalt  }
0x51: {  	_ =	shalt  }
0x52: {  	_ =	shalt  }
0x53: {  	_ =	shalt  }
0x54: {  	_ =	shalt  }
0x55: {  	_ =	shalt  }
0x56: {  	_ =	shalt  }
0x57: {  	_ =	shalt  }
0x58: {  	_ =	shalt  }
0x59: {  	_ =	shalt  }
0x5a: {  	_ =	shalt  }
0x5b: {  	_ =	shalt  }
0x5c: {  	_ =	shalt  }
0x5d: {  	_ =	shalt  }
0x5e: {  	_ =	shalt  }
0x5f: {  	_ =	shalt  }
0x60: {  	_ =	shalt  }
0x61: {  	_ =	shalt  }
0x62: {  	_ =	shalt  }
0x63: {  	_ =	shalt  }
0x64: {  	_ =	shalt  }
0x65: {  	_ =	shalt  }
0x66: {  	_ =	shalt  }
0x67: {  	_ =	shalt  }
0x68: {  	_ =	shalt  }
0x69: {  	_ =	shalt  }
0x6a: {  	_ =	shalt  }
0x6b: {  	_ =	shalt  }
0x6c: {  	_ =	shalt  }
0x6d: {  	_ =	shalt  }
0x6e: {  	_ =	shalt  }
0x6f: {  	_ =	shalt  }
0x70: {  	_ =	shalt  }
0x71: {  	_ =	shalt  }
0x72: {  	_ =	shalt  }
0x73: {  	_ =	shalt  }
0x74: {  	_ =	shalt  }
0x75: {  	_ =	shalt  }
0x76: {  	_ =	shalt  }
0x77: {  	_ =	shalt  }
0x78: {  	_ =	shalt  }
0x79: {  	_ =	shalt  }
0x7a: {  	_ =	shalt  }
0x7b: {  	_ =	shalt  }
0x7c: {  	_ =	shalt  }
0x7d: {  	_ =	shalt  }
0x7e: {  	_ =	shalt  }
0x7f: {  	_ =	shalt  }
0x80: {  	_ =	shalt  }
0x81: {  	_ =	shalt  }
0x82: {  	_ =	shalt  }
0x83: {  	_ =	shalt  }
0x84: {  	_ =	shalt  }
0x85: {  	_ =	shalt  }
0x86: {  	_ =	shalt  }
0x87: {  	_ =	shalt  }
.Lfunc_end0:
.L_simem_size_0:
called_computation.1_lowered:
.L_overlay_start_0:
0x88: {  	s2 =	sld [smem:$0x3FD9]  }
0x89: {  	s3 =	sld [smem:$0x3FFE];
	_ =	sdelay $0x1  }
0x8a: {  	s1 =	srdreg.scid  }
0x8b: {  	s0 =	sand.u32 $0x1, s1  }
0x8c: {  	s17 =	sshll.u32 s0, $0xA;
	s2 =	sadd.s32 s3, s2  }
0x8d: {  	s2 =	sadd.s32 s2, s17  }
0x8e: {  	[smem:$0x3FC3] =	sst s2  }
0x8f: {  	_ = 	snop  }
0x90: {  	s18 =	sld [smem:$0x3FC9]  }
0x91: {  	s4 =	sld [smem:$0x3FC7];
	(tm) =	ssettm $0x1  }
0x92: {  	s19 =	sld [smem:$0x3FFB];
	_ =	sdelay $0x3  }
0x93: {  	_ =	strace s19  }
0x94: {  	s2 =	sld [smem:$0x3FFC];
	_ =	sdelay $0x3  }
0x95: {  	_ =	strace s2  }
0x96: {  	s2 =	sld [smem:$0x3FFD];
	_ =	sdelay $0x3  }
0x97: {  	_ =	strace s2  }
0x98: {  	_ =	strace $0x8FFFFFFF  }
0x99: {  	s20 =	sld [smem:$0x3FDB];
	_ =	sdelay $0x1  }
0x9a: {  	s5 =	simm.s32 $_scs_section_size  }
0x9b: {  	s6 =	simm.s32 $_size__tile_overlayer_lowered;
	s7 =	simm.s32 $_tile_overlayer_lowered  }
0x9c: {  	s8 =	simm.s32 $0x1BFF;
	s21 =	sshll.u32 s7, $0x1;
	s5 =	sadd.s32 s5, s20  }
0x9d: {  	s22 =	simm.s32 $0x0;
	s6 =	sshll.u32 s6, $0x1;
	s7 =	sadd.s32 s21, s5  }
0x9e: {  	[timem:s22], [sflag:s8] =	dma.local [hbm:s7], s6  }
0x9f: {  	_ =	swait.ge [sflag:s8], s6  }
0xa0: {  	s6 =	ssub.s32 $0x0, s6;
	[sflag:s8] =	ssyncset.done $0x0  }
0xa1: {  	[sflag:s8] =	ssyncadd.s32 s6;
	_ =	sdelay $0x1  }
0xa2: {  	s23 =	simm.s32 $0x1B8B  }
0xa3: {  	_ =	swait.ge [sflag:s23], $0x1  }
0xa4: {  	[sflag:s23] =	ssyncset.done $0x0  }
0xa5: {  	[sflag:s23] =	ssyncadd.s32 $0xFFFFFFFF  }
0xa6: {  	s6 =	sld [smem:$0x0]  }
0xa7: {  	s7 =	sand.u32 $0xFFFFFFFE, s1  }
0xa8: {  	p0 =	sne.s32 s1, s7  }
0xa9: {  	s7 =	sshll.u32 @p0 s7, $0xE  }
0xaa: {  	s7 =	sadd.s32 @p0 $0x11B8D, s7;
	s8 =	sshll.u32 @p0 s6, $0x11  }
0xab: {  	s7 =	sor.u32 @p0 s8, s7  }
0xac: {  	[sflag:s7] =	ssyncadd.remote.s32 @p0 $0x1;
	_ =	sdelay $0x1  }
0xad: {  	s7 =	simm.s32 @p0 $0x1B8D  }
0xae: {  	_ =	swait.eq @p0 [sflag:s7], $0x1  }
0xaf: {  	[sflag:s7] =	ssyncadd.s32 @p0 $0xFFFFFFFF  }
0xb0: {  	s8 =	sshll.u32 @!p0 s1, $0xE  }
0xb1: {  	s8 =	sor.u32 @!p0 $0x4000, s8;
	s7 =	simm.s32 @!p0 $0x1B8D  }
0xb2: {  	s6 =	sshll.u32 @!p0 s6, $0x11;
	s8 =	sadd.s32 @!p0 $0x11B8D, s8;
	_ =	swait.eq @!p0 [sflag:s7], $0x1  }
0xb3: {  	s6 =	sor.u32 @!p0 s6, s8;
	[sflag:s7] =	ssyncadd.s32 @!p0 $0xFFFFFFFF  }
0xb4: {  	s25 =	simm.s32 $0x1B8E;
	s24 =	sld [smem:$0x3FFE];
	[sflag:s6] =	ssyncadd.remote.s32 @!p0 $0x1  }
0xb5: {  	s26 =	simm.s32 $execute0_lowered;
	[smem:$0x3FD2] =	sst s25  }
0xb6: {  	s7 =	sshll.u32 s26, $0x1;
	_ =	strace $0x80000049;
	[dreg:$0x1] =	wrdreg $0xFFFFFFFF  }
0xb7: {  	s28 =	simm.s32 $_size_execute0_lowered;
	s5 =	sadd.s32 s5, s7;
	[dreg:$0x0] =	wrdreg $0x0  }
0xb8: {  	s7 =	sshll.u32 s28, $0x1;
	[dreg:$0x2] =	wrdreg s5  }
0xb9: {  	[dreg:$0x3] =	wrdreg s7  }
0xba: {  	[dreg:$0x4] =	wrdreg $0xC0  }
0xbb: {  	_ =	task [dreg:s22], $0x5FFFF  }
0xbc: {  	[dreg:$0x1] =	wrdreg $0xFFFFFFFF  }
0xbd: {  	[dreg:$0x0] =	wrdreg $0x60  }
0xbe: {  	[dreg:$0x2] =	wrdreg s18  }
0xbf: {  	[dreg:$0x3] =	wrdreg s4  }
0xc0: {  	[dreg:$0x4] =	wrdreg s24  }
0xc1: {  	[dreg:$0x5] =	wrdreg $0xA  }
0xc2: {  	_ =	task.clear_ibuf [dreg:s22], $0x6FFFF;
	_ =	strace $0x90000049  }
0xc3: {  	s29 =	simm.s32 $0xA;
	_ =	strace $0x8000004B  }
0xc4: {  	_ =	swait.ge [sflag:s29], $0x1  }
0xc5: {  	[sflag:s29] =	ssyncadd.s32 $0xFFFFFFFF  }
0xc6: {  	_ =	strace $0x9000004B  }
0xc7: {  	_ =	sfence  }
0xc8: {  	s30 =	sld [smem:$0x0];
	_ =	sdelay $0x2  }
0xc9: {  	s31 =	sshll.u32 s1, $0xD;
	s1 =	sshrl.u32 s1, $0x2  }
0xca: {  	s4 =	sand.u32 $0x4000, s31;
	s1 =	sadd.s32 s1, s30  }
0xcb: {  	s0 =	sor.u32 s4, s0;
	s1 =	sshll.u32 s1, $0x11  }
0xcc: {  	s0 =	sor.u32 s1, s0  }
0xcd: {  	s0 =	sadd.s32 $0x8F2B, s0  }
0xce: {  	[sflag:s0] =	ssyncadd.remote.s32 $0x1  }
0xcf: {  	_ =	sfence.sel $0xFFFF  }
0xd0: {  	[dreg:$0x0] =	wrdreg $0xFFFFFFFF;
	(pc) =	sbr.abs _section_cstart, $3  }
0xd1: {  	[dreg:$0x1] =	wrdreg $0xFFFFFFFF  }
0xd2: {  	_ =	task.clear_ibuf [dreg:s22], $0x2FFFF;
	_ =	strace $0x9FFFFFFF  }
0xd3: {  	(tm) =	ssettm $0x7FFFFFFF  }
tec
execute0_lowered:
.L_overlay_start_1:
0x0: {  	(tag) =	ssettag $0x1  }
0x1: {  	s0 =	rddreg [dreg:$0x0]  }
0x2: {  	s1 =	rddreg [dreg:$0x1]  }
0x3: {  	s4 =	rddreg [dreg:$0x2];
	s5 =	srdreg.scid;
	s3 =	simm.s32 $0x0  }
0x4: {  	s2 =	stileid.u32;
	s12 =	simm.s32 $0x880;
	s13 =	simm.s32 $0x1080  }
0x5: {  	s14 =	simm.s32 $0x1880;
	s15 =	simm.s32 $0x2080;
	[smem:$0x7FF] =	sst s3  }
0x6: {  	s16 =	simm.s32 $0x2880;
	_ =	strace $0x8000004A;
	[dreg:$0x7] =	wrdreg s12  }
0x7: {  	s18 =	simm.s32 $0x3080;
	s19 =	simm.s32 $0x3880;
	[dreg:$0x8] =	wrdreg s13  }
0x8: {  	s21 =	simm.s32 $0x4080;
	s22 =	simm.s32 $0x4880;
	[dreg:$0x9] =	wrdreg s14  }
0x9: {  	s23 =	simm.s32 $0x5080;
	s24 =	simm.s32 $0x5880;
	[dreg:$0xa] =	wrdreg s15  }
0xa: {  	s25 =	simm.s32 $0x6080;
	s26 =	simm.s32 $0x6880;
	[dreg:$0xb] =	wrdreg s16  }
0xb: {  	s28 =	simm.s32 $0xF880;
	s29 =	simm.s32 $0x1;
	[dreg:$0xc] =	wrdreg s18  }
0xc: {  	s30 =	simm.s32 $0x2;
	s31 =	simm.s32 $0x3;
	[dreg:$0xd] =	wrdreg s19  }
0xd: {  	s5 =	sand.u32 $0x1, s5;
	s6 =	sshll.u32 s2, $0x1;
	[dreg:$0xe] =	wrdreg s21  }
0xe: {  	s7 =	sshrl.u32 s2, $0x2;
	s8 =	sshll.u32 s2, $0x6;
	[dreg:$0xf] =	wrdreg s22  }
0xf: {  	s6 =	sand.u32 $0x6, s6;
	s8 =	sand.u32 $0xC0, s8;
	[dreg:$0x10] =	wrdreg s23  }
0x10: {  	s9 =	sshll.u32 s7, $0x4;
	s10 =	sshll.u32 s5, $0x3;
	[dreg:$0x11] =	wrdreg s24  }
0x11: {  	s7 =	sshll.u32 s7, $0x10;
	s17 =	ssub.s32 $0x2, s5;
	[dreg:$0x12] =	wrdreg s25  }
0x12: {  	[dreg:$0x13] =	wrdreg s26;
	s12 =	simm.s32 $0x8080;
	s13 =	simm.s32 $0x8880  }
0x13: {  	s14 =	simm.s32 $0x9080;
	s15 =	simm.s32 $0x9880;
	s16 =	simm.s32 $0xA080  }
0x14: {  	s18 =	simm.s32 $0xB080;
	s19 =	simm.s32 $0xB880;
	s21 =	simm.s32 $0xC880  }
0x15: {  	s22 =	simm.s32 $0xD080;
	s23 =	simm.s32 $0xD880;
	s24 =	simm.s32 $0xE080  }
0x16: {  	s25 =	simm.s32 $0xE880;
	s26 =	simm.s32 $0xF080;
	s6 =	sor.u32 s5, s6  }
0x17: {  	s8 =	sor.u32 s9, s8;
	s5 =	sshrl.u32 s17, $0x1;
	s9 =	simm.s32 $0x80  }
0x18: {  	s6 =	sshll.u32 s6, $0xD;
	s8 =	sor.u32 s10, s8;
	s20 =	ssub.s32 s17, s5  }
0x19: {  	s5 =	sadd.s32 $0x200, s1;
	s17 =	simm.s32 $0xA880;
	s6 =	sor.u32 s7, s6  }
0x1a: {  	s0 =	sadd.s32 s8, s0;
	s7 =	smax.u32 s20, $0x1;
	s8 =	simm.s32 $0x5  }
0x1b: {  	s20 =	simm.s32 $0xC080;
	s4 =	sadd.s32 s6, s4;
	s0 =	sadd.s32 $0x100, s0  }
0x1c: {  	v2 =	vlaneseq.u32;
	s6 =	sadd.s32 $0x300, s1;
	[dreg:$0x4] =	wrdreg s0;
	s10 =	sadd.s32 $0x1C00, s4  }
0x1d: {  	vm0 =	vmmov $0xffff;
	v1 =	vshrl.u32 v2, $0x3;
	s11 =	sadd.s32 $0x2C00, s4;
	s4 =	sadd.s32 $0x100, s1;
	[dreg:$0x5] =	wrdreg s10  }
0x1e: {  	v0 =	vand.u32 $0x7, v2;
	v2 =	vor.u32 $0x8, v2;
	v1 =	vmul.u32 $0x8, v1;
	s0 =	simm.s32 $0x4;
	[dreg:$0x6] =	wrdreg s11;
	s11 =	simm.s32 $0x7880  }
.LBB2_1:
0x1f: {  	s2 =	rddreg [dreg:$0x4]  }
0x20: {  	[tilespmem:s3], [sflag:$0x5] =	stream.linear.gather [hbm4b:s2+s3], $0x40, $0x38;
	[tilespmem:$0x18080] =	vst v63  }
0x21: {  	_ =	swait.ge [sflag:s8], $0x40  }
0x22: {  	[sflag:s8] =	ssyncset.done $0x0  }
0x23: {  	[sflag:s8] =	ssyncadd.s32 $0xFFFFFFC0  }
0x24: {  	v3 =	vld [tilespmem:$0x0];
	_ =	sdelay $0x4  }
0x25: {  	v4 =	vshll.u32 v3, $0x3  }
0x26: {  	v3 =	vand.u32 $0x7, v3;
	v4 =	vand.u32 $0xFFFFFFC0, v4  }
0x27: {  	v3 =	vor.u32 v3, v4  }
0x28: {  	v4 =	vperm.xlane v3, v0;
	_ =	sdelay $0x1  }
0x29: {  	v4 =	vadd.s32 v1, v4;
	_ =	sdelay $0x4  }
0x2a: {  	[tilespmem:s9], [sflag:$0x1] =	stream.indirect_vreg.gather [hbm4b:s1+s3], $0x80, v4, vm0, $0xb8;
	[tilespmem:$0x18080] =	vst v63  }
0x2b: {  	s2 =	rddreg [dreg:$0x7];
	v3 =	vperm.xlane v3, v2  }
0x2c: {  	[tilespmem:s2], [sflag:$0x1] =	stream.indirect_vreg.gather [hbm4b:s4+s3], $0x80, v4, vm0, $0xb8;
	[tilespmem:$0x18080] =	vst v63  }
0x2d: {  	s10 =	rddreg [dreg:$0x8];
	v3 =	vadd.s32 v1, v3  }
0x2e: {  	[tilespmem:s10], [sflag:$0x1] =	stream.indirect_vreg.gather [hbm4b:s5+s3], $0x80, v4, vm0, $0xb8;
	[tilespmem:$0x18080] =	vst v63  }
0x2f: {  	s2 =	rddreg [dreg:$0x9]  }
0x30: {  	[tilespmem:s2], [sflag:$0x1] =	stream.indirect_vreg.gather [hbm4b:s6+s3], $0x80, v4, vm0, $0xb8;
	[tilespmem:$0x18080] =	vst v63  }
0x31: {  	s10 =	rddreg [dreg:$0xa]  }
0x32: {  	[tilespmem:s10], [sflag:$0x1] =	stream.indirect_vreg.gather [hbm4b:s1+s3], $0x80, v3, vm0, $0xb8;
	[tilespmem:$0x18080] =	vst v63  }
0x33: {  	s2 =	rddreg [dreg:$0xb]  }
0x34: {  	[tilespmem:s2], [sflag:$0x1] =	stream.indirect_vreg.gather [hbm4b:s4+s3], $0x80, v3, vm0, $0xb8;
	[tilespmem:$0x18080] =	vst v63  }
0x35: {  	s10 =	rddreg [dreg:$0xc]  }
0x36: {  	[tilespmem:s10], [sflag:$0x1] =	stream.indirect_vreg.gather [hbm4b:s5+s3], $0x80, v3, vm0, $0xb8;
	[tilespmem:$0x18080] =	vst v63  }
0x37: {  	s2 =	rddreg [dreg:$0xd]  }
0x38: {  	[tilespmem:s2], [sflag:$0x1] =	stream.indirect_vreg.gather [hbm4b:s6+s3], $0x80, v3, vm0, $0xb8;
	[tilespmem:$0x18080] =	vst v63  }
0x39: {  	v3 =	vld [tilespmem:$0x10];
	_ =	sdelay $0x4  }
0x3a: {  	v61 =	vshll.u32 v3, $0x3  }
0x3b: {  	v3 =	vand.u32 $0x7, v3;
	v4 =	vand.u32 $0xFFFFFFC0, v61  }
0x3c: {  	v3 =	vor.u32 v3, v4  }
0x3d: {  	v4 =	vperm.xlane v3, v0;
	_ =	sdelay $0x1  }
0x3e: {  	v4 =	vadd.s32 v1, v4;
	_ =	sdelay $0x3  }
0x3f: {  	s2 =	rddreg [dreg:$0xe]  }
0x40: {  	[tilespmem:s2], [sflag:$0x1] =	stream.indirect_vreg.gather [hbm4b:s1+s3], $0x80, v4, vm0, $0xb8;
	[tilespmem:$0x18080] =	vst v63  }
0x41: {  	s10 =	rddreg [dreg:$0xf];
	v3 =	vperm.xlane v3, v2  }
0x42: {  	[tilespmem:s10], [sflag:$0x1] =	stream.indirect_vreg.gather [hbm4b:s4+s3], $0x80, v4, vm0, $0xb8;
	[tilespmem:$0x18080] =	vst v63  }
0x43: {  	v3 =	vadd.s32 v1, v3;
	s2 =	rddreg [dreg:$0x10]  }
0x44: {  	[tilespmem:s2], [sflag:$0x1] =	stream.indirect_vreg.gather [hbm4b:s5+s3], $0x80, v4, vm0, $0xb8;
	[tilespmem:$0x18080] =	vst v63  }
0x45: {  	s10 =	rddreg [dreg:$0x11]  }
0x46: {  	[tilespmem:s10], [sflag:$0x1] =	stream.indirect_vreg.gather [hbm4b:s6+s3], $0x80, v4, vm0, $0xb8;
	[tilespmem:$0x18080] =	vst v63  }
0x47: {  	s2 =	rddreg [dreg:$0x12]  }
0x48: {  	[tilespmem:s2], [sflag:$0x1] =	stream.indirect_vreg.gather [hbm4b:s1+s3], $0x80, v3, vm0, $0xb8;
	[tilespmem:$0x18080] =	vst v63  }
0x49: {  	s10 =	rddreg [dreg:$0x13]  }
0x4a: {  	[tilespmem:s10], [sflag:$0x1] =	stream.indirect_vreg.gather [hbm4b:s4+s3], $0x80, v3, vm0, $0xb8;
	[tilespmem:$0x18080] =	vst v63  }
0x4b: {  	s10 =	simm.s32 $0x7080  }
0x4c: {  	[tilespmem:s10], [sflag:$0x1] =	stream.indirect_vreg.gather [hbm4b:s5+s3], $0x80, v3, vm0, $0xb8;
	[tilespmem:$0x18080] =	vst v63  }
0x4d: {  	_ = 	snop  }
0x4e: {  	[tilespmem:s11], [sflag:$0x1] =	stream.indirect_vreg.gather [hbm4b:s6+s3], $0x80, v3, vm0, $0xb8;
	[tilespmem:$0x18080] =	vst v63  }
0x4f: {  	v3 =	vld [tilespmem:$0x20];
	_ =	sdelay $0x4  }
0x50: {  	v62 =	vshll.u32 v3, $0x3  }
0x51: {  	v3 =	vand.u32 $0x7, v3;
	v4 =	vand.u32 $0xFFFFFFC0, v62  }
0x52: {  	v3 =	vor.u32 v3, v4  }
0x53: {  	v4 =	vperm.xlane v3, v0;
	_ =	sdelay $0x1  }
0x54: {  	v4 =	vadd.s32 v1, v4;
	_ =	sdelay $0x4  }
0x55: {  	[tilespmem:s12], [sflag:$0x2] =	stream.indirect_vreg.gather [hbm4b:s1+s3], $0x80, v4, vm0, $0xb8;
	[tilespmem:$0x18080] =	vst v63  }
0x56: {  	v3 =	vperm.xlane v3, v2  }
0x57: {  	[tilespmem:s13], [sflag:$0x2] =	stream.indirect_vreg.gather [hbm4b:s4+s3], $0x80, v4, vm0, $0xb8;
	[tilespmem:$0x18080] =	vst v63  }
0x58: {  	v3 =	vadd.s32 v1, v3  }
0x59: {  	[tilespmem:s14], [sflag:$0x2] =	stream.indirect_vreg.gather [hbm4b:s5+s3], $0x80, v4, vm0, $0xb8;
	[tilespmem:$0x18080] =	vst v63  }
0x5a: {  	_ = 	snop  }
0x5b: {  	[tilespmem:s15], [sflag:$0x2] =	stream.indirect_vreg.gather [hbm4b:s6+s3], $0x80, v4, vm0, $0xb8;
	[tilespmem:$0x18080] =	vst v63  }
0x5c: {  	_ = 	snop  }
0x5d: {  	[tilespmem:s16], [sflag:$0x2] =	stream.indirect_vreg.gather [hbm4b:s1+s3], $0x80, v3, vm0, $0xb8;
	[tilespmem:$0x18080] =	vst v63  }
0x5e: {  	_ = 	snop  }
0x5f: {  	[tilespmem:s17], [sflag:$0x2] =	stream.indirect_vreg.gather [hbm4b:s4+s3], $0x80, v3, vm0, $0xb8;
	[tilespmem:$0x18080] =	vst v63  }
0x60: {  	_ = 	snop  }
0x61: {  	[tilespmem:s18], [sflag:$0x2] =	stream.indirect_vreg.gather [hbm4b:s5+s3], $0x80, v3, vm0, $0xb8;
	[tilespmem:$0x18080] =	vst v63  }
0x62: {  	_ = 	snop  }
0x63: {  	[tilespmem:s19], [sflag:$0x2] =	stream.indirect_vreg.gather [hbm4b:s6+s3], $0x80, v3, vm0, $0xb8;
	[tilespmem:$0x18080] =	vst v63  }
0x64: {  	v3 =	vld [tilespmem:$0x30];
	_ =	sdelay $0x4  }
0x65: {  	v63 =	vshll.u32 v3, $0x3  }
0x66: {  	v3 =	vand.u32 $0x7, v3;
	v4 =	vand.u32 $0xFFFFFFC0, v63  }
0x67: {  	v3 =	vor.u32 v3, v4  }
0x68: {  	v4 =	vperm.xlane v3, v0;
	_ =	sdelay $0x1  }
0x69: {  	v4 =	vadd.s32 v1, v4;
	_ =	sdelay $0x4  }
0x6a: {  	[tilespmem:s20], [sflag:$0x2] =	stream.indirect_vreg.gather [hbm4b:s1+s3], $0x80, v4, vm0, $0xb8;
	[tilespmem:$0x18080] =	vst v63  }
0x6b: {  	v3 =	vperm.xlane v3, v2  }
0x6c: {  	[tilespmem:s21], [sflag:$0x2] =	stream.indirect_vreg.gather [hbm4b:s4+s3], $0x80, v4, vm0, $0xb8;
	[tilespmem:$0x18080] =	vst v63  }
0x6d: {  	v3 =	vadd.s32 v1, v3  }
0x6e: {  	[tilespmem:s22], [sflag:$0x2] =	stream.indirect_vreg.gather [hbm4b:s5+s3], $0x80, v4, vm0, $0xb8;
	[tilespmem:$0x18080] =	vst v63  }
0x6f: {  	_ = 	snop  }
0x70: {  	[tilespmem:s23], [sflag:$0x2] =	stream.indirect_vreg.gather [hbm4b:s6+s3], $0x80, v4, vm0, $0xb8;
	[tilespmem:$0x18080] =	vst v63  }
0x71: {  	_ = 	snop  }
0x72: {  	[tilespmem:s24], [sflag:$0x2] =	stream.indirect_vreg.gather [hbm4b:s1+s3], $0x80, v3, vm0, $0xb8;
	[tilespmem:$0x18080] =	vst v63  }
0x73: {  	_ = 	snop  }
0x74: {  	[tilespmem:s25], [sflag:$0x2] =	stream.indirect_vreg.gather [hbm4b:s4+s3], $0x80, v3, vm0, $0xb8;
	[tilespmem:$0x18080] =	vst v63  }
0x75: {  	_ = 	snop  }
0x76: {  	[tilespmem:s26], [sflag:$0x2] =	stream.indirect_vreg.gather [hbm4b:s5+s3], $0x80, v3, vm0, $0xb8;
	[tilespmem:$0x18080] =	vst v63  }
0x77: {  	_ = 	snop  }
0x78: {  	[tilespmem:s28], [sflag:$0x2] =	stream.indirect_vreg.gather [hbm4b:s6+s3], $0x80, v3, vm0, $0xb8;
	[tilespmem:$0x18080] =	vst v63  }
0x79: {  	_ =	swait.ge [sflag:s29], $0x8000  }
0x7a: {  	[sflag:s29] =	ssyncset.done $0x0  }
0x7b: {  	s10 =	rddreg [dreg:$0x5];
	[sflag:s29] =	ssyncadd.s32 $0xFFFF8000  }
0x7c: {  	[hbm4b:s10+s3] =	stream.linear.scatter [tilespmem:s9], [sflag:$0x3], $0x8000, $0x38;
	[tilespmem:$0x18080] =	vst v63  }
0x7d: {  	_ =	swait.ge [sflag:s30], $0x8000  }
0x7e: {  	[sflag:s30] =	ssyncset.done $0x0  }
0x7f: {  	s10 =	rddreg [dreg:$0x6];
	[sflag:s30] =	ssyncadd.s32 $0xFFFF8000  }
0x80: {  	[hbm4b:s10+s3] =	stream.linear.scatter [tilespmem:s12], [sflag:$0x4], $0x8000, $0x38;
	[tilespmem:$0x18080] =	vst v63  }
0x81: {  	p0 =	sne.s32 s7, $0x1;
	_ =	swait.ge [sflag:s31], $0x8000  }
.Ltmp0:
0x82: {  	[sflag:s31] =	ssyncset.done $0x0;
	(pc) =	sbr.rel @p0 .LBB2_1-.Ltmp0, $4  }
0x83: {  	[sflag:s31] =	ssyncadd.s32 $0xFFFF8000  }
0x84: {  	_ =	swait.ge [sflag:s0], $0x8000  }
0x85: {  	[sflag:s0] =	ssyncset.done $0x0  }
0x86: {  	s7 =	sadd.s32 $0xFFFFFFFF, s7;
	[sflag:s0] =	ssyncadd.s32 $0xFFFF8000  }
0x87: {  	_ =	sfence.sel $0x180000  }
0x88: {  	[bflag:$0x0] =	sbarrier.arrive $0xFFFF  }
0x89: {  	_ =	strace $0x9000004A  }
0x8a: {  	s0 =	stileid.u32;
	[bflag:$0x2] =	sbarrier.arrive $0xFFFF  }
0x8b: {  	p0 =	sne.s32 s0, $0x0;
	s0 =	rddreg [dreg:$0x3]  }
0x8c: {  	s0 =	sadd.s32 @!p0 $0x100000, s0  }
0x8d: {  	[sflag:s0] =	ssyncadd.tile.s32 @!p0 $0x1;
	_ =	shalt  }
.Lfunc_end2:
_tile_overlayer_lowered:
.L_overlay_start_2:
0x8e: {  	(tag) =	ssettag $0x2  }
0x8f: {  	s0 =	rddreg [dreg:$0x0];
	s2 =	stileid.u32  }
0x90: {  	s1 =	rddreg [dreg:$0x1];
	p0 =	sne.s32 s2, $0x0  }
0x91: {  	s3 =	rddreg [dreg:$0x2];
	[bflag:$0x3] =	sbarrier.arrive $0xFFFF;
	s2 =	simm.s32 @!p0 $0x1C05  }
0x92: {  	[timem:s3], [sflag:s2] =	dma.local @!p0 [hbm:s0], s1  }
0x93: {  	s0 =	simm.s32 @!p0 $0x5  }
0x94: {  	_ =	swait.ge @!p0 [sflag:s0], s1  }
0x95: {  	s1 =	ssub.s32 @!p0 $0x0, s1;
	[sflag:s0] =	ssyncset.done @!p0 $0x0  }
0x96: {  	[sflag:s0] =	ssyncadd.s32 @!p0 s1  }
0x97: {  	[bflag:$0x3] =	sbarrier.arrive $0xFFFF  }
0x98: {  	_ =	shalt  }

// kernel: kernel.16.cloned.1.call-start
scs
__scs_entry_jumppad:
0x0: {  	(pc) =	sbr.rel $0x88, $3  }
0x1: {  	(tag) =	ssettag $0x0;
	lr =	simm.s32 $0x1  }
0x2: {  	[smem:$0x3F9C] =	sst lr;
	_ =	strace $0xD0000000  }
0x3: {  	_ = 	snop  }
0x4: {  	_ = 	snop  }
0x5: {  	_ = 	snop  }
0x6: {  	_ = 	snop  }
0x7: {  	_ = 	snop  }
__scs_overlays_trampoline_lowered:
0x8: {  	[smem:$0x3FAB] =	sst s0  }
0x9: {  	[smem:$0x3FAC] =	sst s1  }
0xa: {  	[smem:$0x3FAD] =	sst s2  }
0xb: {  	[smem:$0x3FAE] =	sst s3  }
0xc: {  	[smem:$0x3FAF] =	sst s4  }
0xd: {  	[smem:$0x3FB0] =	sst s5  }
0xe: {  	[smem:$0x3FB1] =	sst s6  }
0xf: {  	[smem:$0x3FB2] =	sst s7  }
0x10: {  	[smem:$0x3FB3] =	sst s8  }
0x11: {  	[smem:$0x3FB4] =	sst s9;
	s0 =	simm.s32 @!p0 $0x0  }
0x12: {  	s1 =	sld [smem:$0x3F9A];
	s0 =	simm.s32 @p0 $0x1  }
0x13: {  	[smem:$0x3FB5] =	sst s0;
	s0 =	simm.s32 @!p1 $0x0  }
0x14: {  	s2 =	sld [smem:$0x3F99];
	s0 =	simm.s32 @p1 $0x1  }
0x15: {  	[smem:$0x3FB6] =	sst s0;
	s0 =	simm.s32 @!p2 $0x0  }
0x16: {  	s3 =	sld [smem:$0x3FDB];
	s0 =	simm.s32 @p2 $0x1  }
0x17: {  	s4 =	simm.s32 $0x1BF5;
	[smem:$0x3FB8] =	sst s0  }
0x18: {  	s0 =	sld [smem:$0x3F9B];
	_ =	swait.ge [sflag:s4], $0x0  }
0x19: {  	s7 =	sld [smem:$0x3F9C]  }
0x1a: {  	s8 =	sadd.s32 $0xFFFFE003, lr  }
0x1b: {  	s9 =	sadd.s32 $0xFFFFFEF7, lr;
	s5 =	simm.s32 $0xFFFFFFFF;
	p2 =	slt.u32 s8, $0xFFFFF086  }
0x1c: {  	p1 =	slt.u32 s9, $0xF7A;
	s5 =	simm.s32 @!p2 $0x0  }
0x1d: {  	s5 =	simm.s32 @p1 $0x1;
	p0 =	seq.s32 s7, s2  }
0x1e: {  	s7 =	smul.u32 @!p0 $0xF7A, s2;
	p2 =	seq.s32 @!p0 s5, $0x0  }
0x1f: {  	s9 =	smul.u32 $0xF7A, s1;
	s8 =	simm.s32 @!p0 $0x1BF5;
	p2 =	por !p2, p0  }
0x20: {  	[sflag:s8] =	ssyncset.s32 @!p0 $0xFFFFF086;
	s6 =	sadd.s32 @!p0 s3, s7;
	s7 =	simm.s32 @!p0 $0x108  }
0x21: {  	s3 =	sadd.s32 s3, s9;
	s6 =	sadd.s32 @!p0 $0x88, s6;
	s7 =	simm.s32 @p2 $0x1082  }
0x22: {  	[simem:s7], [sflag:s8] =	dma.local @!p0 [hbm:s6], $0xF7A  }
0x23: {  	s9 =	sor.u32 $0xD0000000, s2;
	s6 =	simm.s32 $0x108;
	_ =	swait.ge @!p0 [sflag:s8], $0x0  }
0x24: {  	s3 =	sadd.s32 $0x88, s3;
	s6 =	simm.s32 @!p1 $0x1082;
	[sflag:s4] =	ssyncset.s32 $0xFFFFF086  }
0x25: {  	[simem:s6], [sflag:s4] =	dma.local [hbm:s3], $0xF7A  }
0x26: {  	[smem:$0x3F9C] =	sst s1;
	(tag) =	ssettag s2;
	_ =	strace s9  }
0x27: {  	s1 =	sld [smem:$0x3FAC]  }
0x28: {  	s2 =	sld [smem:$0x3FAD]  }
0x29: {  	s4 =	sld [smem:$0x3FAF]  }
0x2a: {  	p0 =	seq.s32 s5, $0x0;
	s5 =	sld [smem:$0x3FB0]  }
0x2b: {  	s6 =	sld [smem:$0x3FB1]  }
0x2c: {  	s7 =	sld [smem:$0x3FB2]  }
0x2d: {  	s3 =	simm.s32 $0x108;
	s8 =	sld [smem:$0x3FB3]  }
0x2e: {  	s3 =	simm.s32 @!p0 $0x1082;
	s9 =	sld [smem:$0x3FB4]  }
0x2f: {  	lr =	sadd.s32 s0, s3;
	s0 =	sld [smem:$0x3FAB]  }
0x30: {  	s3 =	sld [smem:$0x3FAE]  }
0x31: {  	[smem:$0x3FB7] =	sst s10  }
0x32: {  	s10 =	sld [smem:$0x3FB5];
	_ =	sdelay $0x3  }
0x33: {  	p0 =	seq.s32 s10, $0x1;
	s10 =	sld [smem:$0x3FB7];
	_ =	sdelay $0x3  }
0x34: {  	[smem:$0x3FB7] =	sst s10  }
0x35: {  	s10 =	sld [smem:$0x3FB6];
	_ =	sdelay $0x3  }
0x36: {  	p1 =	seq.s32 s10, $0x1;
	s10 =	sld [smem:$0x3FB7];
	_ =	sdelay $0x3  }
0x37: {  	[smem:$0x3FB7] =	sst s10  }
0x38: {  	s10 =	sld [smem:$0x3FB8]  }
0x39: {  	_ = 	snop;
	(pc) =	sbr.ind lr, $3  }
0x3a: {  	_ = 	snop  }
0x3b: {  	_ = 	snop  }
0x3c: {  	p2 =	seq.s32 s10, $0x1;
	s10 =	sld [smem:$0x3FB7]  }
0x3d: {  	_ =	shalt  }
0x3e: {  	_ =	shalt  }
0x3f: {  	_ =	shalt  }
0x40: {  	_ =	shalt  }
0x41: {  	_ =	shalt  }
0x42: {  	_ =	shalt  }
0x43: {  	_ =	shalt  }
0x44: {  	_ =	shalt  }
0x45: {  	_ =	shalt  }
0x46: {  	_ =	shalt  }
0x47: {  	_ =	shalt  }
0x48: {  	_ =	shalt  }
0x49: {  	_ =	shalt  }
0x4a: {  	_ =	shalt  }
0x4b: {  	_ =	shalt  }
0x4c: {  	_ =	shalt  }
0x4d: {  	_ =	shalt  }
0x4e: {  	_ =	shalt  }
0x4f: {  	_ =	shalt  }
0x50: {  	_ =	shalt  }
0x51: {  	_ =	shalt  }
0x52: {  	_ =	shalt  }
0x53: {  	_ =	shalt  }
0x54: {  	_ =	shalt  }
0x55: {  	_ =	shalt  }
0x56: {  	_ =	shalt  }
0x57: {  	_ =	shalt  }
0x58: {  	_ =	shalt  }
0x59: {  	_ =	shalt  }
0x5a: {  	_ =	shalt  }
0x5b: {  	_ =	shalt  }
0x5c: {  	_ =	shalt  }
0x5d: {  	_ =	shalt  }
0x5e: {  	_ =	shalt  }
0x5f: {  	_ =	shalt  }
0x60: {  	_ =	shalt  }
0x61: {  	_ =	shalt  }
0x62: {  	_ =	shalt  }
0x63: {  	_ =	shalt  }
0x64: {  	_ =	shalt  }
0x65: {  	_ =	shalt  }
0x66: {  	_ =	shalt  }
0x67: {  	_ =	shalt  }
0x68: {  	_ =	shalt  }
0x69: {  	_ =	shalt  }
0x6a: {  	_ =	shalt  }
0x6b: {  	_ =	shalt  }
0x6c: {  	_ =	shalt  }
0x6d: {  	_ =	shalt  }
0x6e: {  	_ =	shalt  }
0x6f: {  	_ =	shalt  }
0x70: {  	_ =	shalt  }
0x71: {  	_ =	shalt  }
0x72: {  	_ =	shalt  }
0x73: {  	_ =	shalt  }
0x74: {  	_ =	shalt  }
0x75: {  	_ =	shalt  }
0x76: {  	_ =	shalt  }
0x77: {  	_ =	shalt  }
0x78: {  	_ =	shalt  }
0x79: {  	_ =	shalt  }
0x7a: {  	_ =	shalt  }
0x7b: {  	_ =	shalt  }
0x7c: {  	_ =	shalt  }
0x7d: {  	_ =	shalt  }
0x7e: {  	_ =	shalt  }
0x7f: {  	_ =	shalt  }
0x80: {  	_ =	shalt  }
0x81: {  	_ =	shalt  }
0x82: {  	_ =	shalt  }
0x83: {  	_ =	shalt  }
0x84: {  	_ =	shalt  }
0x85: {  	_ =	shalt  }
0x86: {  	_ =	shalt  }
0x87: {  	_ =	shalt  }
.Lfunc_end0:
.L_simem_size_0:
called_computation.2_lowered:
.L_overlay_start_0:
0x88: {  	s2 =	sld [smem:$0x3FD9]  }
0x89: {  	s3 =	sld [smem:$0x3FFE];
	_ =	sdelay $0x1  }
0x8a: {  	s1 =	srdreg.scid  }
0x8b: {  	s0 =	sand.u32 $0x1, s1  }
0x8c: {  	s17 =	sshll.u32 s0, $0xA;
	s2 =	sadd.s32 s3, s2  }
0x8d: {  	s2 =	sadd.s32 s2, s17  }
0x8e: {  	[smem:$0x3FC3] =	sst s2  }
0x8f: {  	_ = 	snop  }
0x90: {  	s18 =	sld [smem:$0x3FC9]  }
0x91: {  	s4 =	sld [smem:$0x3FC7];
	(tm) =	ssettm $0x1  }
0x92: {  	s19 =	sld [smem:$0x3FFB];
	_ =	sdelay $0x3  }
0x93: {  	_ =	strace s19  }
0x94: {  	s2 =	sld [smem:$0x3FFC];
	_ =	sdelay $0x3  }
0x95: {  	_ =	strace s2  }
0x96: {  	s2 =	sld [smem:$0x3FFD];
	_ =	sdelay $0x3  }
0x97: {  	_ =	strace s2  }
0x98: {  	_ =	strace $0x8FFFFFFF  }
0x99: {  	s20 =	sld [smem:$0x3FDB];
	_ =	sdelay $0x1  }
0x9a: {  	s5 =	simm.s32 $_scs_section_size  }
0x9b: {  	s6 =	simm.s32 $_size__tile_overlayer_lowered;
	s7 =	simm.s32 $_tile_overlayer_lowered  }
0x9c: {  	s8 =	simm.s32 $0x1BFF;
	s21 =	sshll.u32 s7, $0x1;
	s5 =	sadd.s32 s5, s20  }
0x9d: {  	s22 =	simm.s32 $0x0;
	s6 =	sshll.u32 s6, $0x1;
	s7 =	sadd.s32 s21, s5  }
0x9e: {  	[timem:s22], [sflag:s8] =	dma.local [hbm:s7], s6  }
0x9f: {  	_ =	swait.ge [sflag:s8], s6  }
0xa0: {  	s6 =	ssub.s32 $0x0, s6;
	[sflag:s8] =	ssyncset.done $0x0  }
0xa1: {  	[sflag:s8] =	ssyncadd.s32 s6;
	_ =	sdelay $0x1  }
0xa2: {  	s23 =	simm.s32 $0x1B8B  }
0xa3: {  	_ =	swait.ge [sflag:s23], $0x1  }
0xa4: {  	[sflag:s23] =	ssyncset.done $0x0  }
0xa5: {  	[sflag:s23] =	ssyncadd.s32 $0xFFFFFFFF  }
0xa6: {  	s6 =	sld [smem:$0x0]  }
0xa7: {  	s7 =	sand.u32 $0xFFFFFFFE, s1  }
0xa8: {  	p0 =	sne.s32 s1, s7  }
0xa9: {  	s7 =	sshll.u32 @p0 s7, $0xE  }
0xaa: {  	s7 =	sadd.s32 @p0 $0x11B8D, s7;
	s8 =	sshll.u32 @p0 s6, $0x11  }
0xab: {  	s7 =	sor.u32 @p0 s8, s7  }
0xac: {  	[sflag:s7] =	ssyncadd.remote.s32 @p0 $0x1;
	_ =	sdelay $0x1  }
0xad: {  	s7 =	simm.s32 @p0 $0x1B8D  }
0xae: {  	_ =	swait.eq @p0 [sflag:s7], $0x1  }
0xaf: {  	[sflag:s7] =	ssyncadd.s32 @p0 $0xFFFFFFFF  }
0xb0: {  	s8 =	sshll.u32 @!p0 s1, $0xE  }
0xb1: {  	s8 =	sor.u32 @!p0 $0x4000, s8;
	s7 =	simm.s32 @!p0 $0x1B8D  }
0xb2: {  	s6 =	sshll.u32 @!p0 s6, $0x11;
	s8 =	sadd.s32 @!p0 $0x11B8D, s8;
	_ =	swait.eq @!p0 [sflag:s7], $0x1  }
0xb3: {  	s6 =	sor.u32 @!p0 s6, s8;
	[sflag:s7] =	ssyncadd.s32 @!p0 $0xFFFFFFFF  }
0xb4: {  	s25 =	simm.s32 $0x1B8E;
	s24 =	sld [smem:$0x3FFE];
	[sflag:s6] =	ssyncadd.remote.s32 @!p0 $0x1  }
0xb5: {  	s26 =	simm.s32 $execute0_lowered;
	[smem:$0x3FD2] =	sst s25  }
0xb6: {  	s7 =	sshll.u32 s26, $0x1;
	_ =	strace $0x8000004C;
	[dreg:$0x1] =	wrdreg $0xFFFFFFFF  }
0xb7: {  	s28 =	simm.s32 $_size_execute0_lowered;
	s5 =	sadd.s32 s5, s7;
	[dreg:$0x0] =	wrdreg $0x0  }
0xb8: {  	s7 =	sshll.u32 s28, $0x1;
	[dreg:$0x2] =	wrdreg s5  }
0xb9: {  	[dreg:$0x3] =	wrdreg s7  }
0xba: {  	[dreg:$0x4] =	wrdreg $0xC0  }
0xbb: {  	_ =	task [dreg:s22], $0x5FFFF  }
0xbc: {  	[dreg:$0x1] =	wrdreg $0xFFFFFFFF  }
0xbd: {  	[dreg:$0x0] =	wrdreg $0x60  }
0xbe: {  	[dreg:$0x2] =	wrdreg s18  }
0xbf: {  	[dreg:$0x3] =	wrdreg s4  }
0xc0: {  	[dreg:$0x4] =	wrdreg s24  }
0xc1: {  	[dreg:$0x5] =	wrdreg $0xB  }
0xc2: {  	_ =	task.clear_ibuf [dreg:s22], $0x6FFFF;
	_ =	strace $0x9000004C  }
0xc3: {  	s29 =	simm.s32 $0xB;
	_ =	strace $0x8000004E  }
0xc4: {  	_ =	swait.ge [sflag:s29], $0x1  }
0xc5: {  	[sflag:s29] =	ssyncadd.s32 $0xFFFFFFFF  }
0xc6: {  	_ =	strace $0x9000004E  }
0xc7: {  	_ =	sfence  }
0xc8: {  	s30 =	sld [smem:$0x0];
	_ =	sdelay $0x2  }
0xc9: {  	s31 =	sshll.u32 s1, $0xD;
	s1 =	sshrl.u32 s1, $0x2  }
0xca: {  	s4 =	sand.u32 $0x4000, s31;
	s1 =	sadd.s32 s1, s30  }
0xcb: {  	s0 =	sor.u32 s4, s0;
	s1 =	sshll.u32 s1, $0x11  }
0xcc: {  	s0 =	sor.u32 s1, s0  }
0xcd: {  	s0 =	sadd.s32 $0x8F2B, s0  }
0xce: {  	[sflag:s0] =	ssyncadd.remote.s32 $0x1  }
0xcf: {  	_ =	sfence.sel $0xFFFF  }
0xd0: {  	[dreg:$0x0] =	wrdreg $0xFFFFFFFF;
	(pc) =	sbr.abs _section_cstart, $3  }
0xd1: {  	[dreg:$0x1] =	wrdreg $0xFFFFFFFF  }
0xd2: {  	_ =	task.clear_ibuf [dreg:s22], $0x2FFFF;
	_ =	strace $0x9FFFFFFF  }
0xd3: {  	(tm) =	ssettm $0x7FFFFFFF  }
tec
execute0_lowered:
.L_overlay_start_1:
0x0: {  	(tag) =	ssettag $0x1  }
0x1: {  	s0 =	rddreg [dreg:$0x0]  }
0x2: {  	s1 =	rddreg [dreg:$0x1]  }
0x3: {  	s4 =	rddreg [dreg:$0x2];
	s5 =	srdreg.scid;
	s3 =	simm.s32 $0x0  }
0x4: {  	s2 =	stileid.u32;
	s12 =	simm.s32 $0x880;
	s13 =	simm.s32 $0x1080  }
0x5: {  	s14 =	simm.s32 $0x1880;
	s15 =	simm.s32 $0x2080;
	[smem:$0x7FF] =	sst s3  }
0x6: {  	s16 =	simm.s32 $0x2880;
	_ =	strace $0x8000004D;
	[dreg:$0x7] =	wrdreg s12  }
0x7: {  	s18 =	simm.s32 $0x3080;
	s19 =	simm.s32 $0x3880;
	[dreg:$0x8] =	wrdreg s13  }
0x8: {  	s21 =	simm.s32 $0x4080;
	s22 =	simm.s32 $0x4880;
	[dreg:$0x9] =	wrdreg s14  }
0x9: {  	s23 =	simm.s32 $0x5080;
	s24 =	simm.s32 $0x5880;
	[dreg:$0xa] =	wrdreg s15  }
0xa: {  	s25 =	simm.s32 $0x6080;
	s26 =	simm.s32 $0x6880;
	[dreg:$0xb] =	wrdreg s16  }
0xb: {  	s28 =	simm.s32 $0xF880;
	s29 =	simm.s32 $0x1;
	[dreg:$0xc] =	wrdreg s18  }
0xc: {  	s30 =	simm.s32 $0x2;
	s31 =	simm.s32 $0x3;
	[dreg:$0xd] =	wrdreg s19  }
0xd: {  	s5 =	sand.u32 $0x1, s5;
	s6 =	sshll.u32 s2, $0x1;
	[dreg:$0xe] =	wrdreg s21  }
0xe: {  	s7 =	sshrl.u32 s2, $0x2;
	s8 =	sshll.u32 s2, $0x6;
	[dreg:$0xf] =	wrdreg s22  }
0xf: {  	s6 =	sand.u32 $0x6, s6;
	s8 =	sand.u32 $0xC0, s8;
	[dreg:$0x10] =	wrdreg s23  }
0x10: {  	s9 =	sshll.u32 s7, $0x4;
	s10 =	sshll.u32 s5, $0x3;
	[dreg:$0x11] =	wrdreg s24  }
0x11: {  	s7 =	sshll.u32 s7, $0x10;
	s17 =	ssub.s32 $0x2, s5;
	[dreg:$0x12] =	wrdreg s25  }
0x12: {  	[dreg:$0x13] =	wrdreg s26;
	s12 =	simm.s32 $0x8080;
	s13 =	simm.s32 $0x8880  }
0x13: {  	s14 =	simm.s32 $0x9080;
	s15 =	simm.s32 $0x9880;
	s16 =	simm.s32 $0xA080  }
0x14: {  	s18 =	simm.s32 $0xB080;
	s19 =	simm.s32 $0xB880;
	s21 =	simm.s32 $0xC880  }
0x15: {  	s22 =	simm.s32 $0xD080;
	s23 =	simm.s32 $0xD880;
	s24 =	simm.s32 $0xE080  }
0x16: {  	s25 =	simm.s32 $0xE880;
	s26 =	simm.s32 $0xF080;
	s6 =	sor.u32 s5, s6  }
0x17: {  	s8 =	sor.u32 s9, s8;
	s5 =	sshrl.u32 s17, $0x1;
	s9 =	simm.s32 $0x80  }
0x18: {  	s6 =	sshll.u32 s6, $0xD;
	s8 =	sor.u32 s10, s8;
	s20 =	ssub.s32 s17, s5  }
0x19: {  	s5 =	sadd.s32 $0x200, s1;
	s17 =	simm.s32 $0xA880;
	s6 =	sor.u32 s7, s6  }
0x1a: {  	s0 =	sadd.s32 s8, s0;
	s7 =	smax.u32 s20, $0x1;
	s8 =	simm.s32 $0x5  }
0x1b: {  	s20 =	simm.s32 $0xC080;
	s4 =	sadd.s32 s6, s4;
	s0 =	sadd.s32 $0x200, s0  }
0x1c: {  	v2 =	vlaneseq.u32;
	s6 =	sadd.s32 $0x300, s1;
	[dreg:$0x4] =	wrdreg s0;
	s10 =	sadd.s32 $0x41C00, s4  }
0x1d: {  	vm0 =	vmmov $0xffff;
	v1 =	vshrl.u32 v2, $0x3;
	s11 =	sadd.s32 $0x42C00, s4;
	s4 =	sadd.s32 $0x100, s1;
	[dreg:$0x5] =	wrdreg s10  }
0x1e: {  	v0 =	vand.u32 $0x7, v2;
	v2 =	vor.u32 $0x8, v2;
	v1 =	vmul.u32 $0x8, v1;
	s0 =	simm.s32 $0x4;
	[dreg:$0x6] =	wrdreg s11;
	s11 =	simm.s32 $0x7880  }
.LBB2_1:
0x1f: {  	s2 =	rddreg [dreg:$0x4]  }
0x20: {  	[tilespmem:s3], [sflag:$0x5] =	stream.linear.gather [hbm4b:s2+s3], $0x40, $0x38;
	[tilespmem:$0x18080] =	vst v63  }
0x21: {  	_ =	swait.ge [sflag:s8], $0x40  }
0x22: {  	[sflag:s8] =	ssyncset.done $0x0  }
0x23: {  	[sflag:s8] =	ssyncadd.s32 $0xFFFFFFC0  }
0x24: {  	v3 =	vld [tilespmem:$0x0];
	_ =	sdelay $0x4  }
0x25: {  	v4 =	vshll.u32 v3, $0x3  }
0x26: {  	v3 =	vand.u32 $0x7, v3;
	v4 =	vand.u32 $0xFFFFFFC0, v4  }
0x27: {  	v3 =	vor.u32 v3, v4  }
0x28: {  	v4 =	vperm.xlane v3, v0;
	_ =	sdelay $0x1  }
0x29: {  	v4 =	vadd.s32 v1, v4;
	_ =	sdelay $0x4  }
0x2a: {  	[tilespmem:s9], [sflag:$0x1] =	stream.indirect_vreg.gather [hbm4b:s1+s3], $0x80, v4, vm0, $0xb8;
	[tilespmem:$0x18080] =	vst v63  }
0x2b: {  	s2 =	rddreg [dreg:$0x7];
	v3 =	vperm.xlane v3, v2  }
0x2c: {  	[tilespmem:s2], [sflag:$0x1] =	stream.indirect_vreg.gather [hbm4b:s4+s3], $0x80, v4, vm0, $0xb8;
	[tilespmem:$0x18080] =	vst v63  }
0x2d: {  	s10 =	rddreg [dreg:$0x8];
	v3 =	vadd.s32 v1, v3  }
0x2e: {  	[tilespmem:s10], [sflag:$0x1] =	stream.indirect_vreg.gather [hbm4b:s5+s3], $0x80, v4, vm0, $0xb8;
	[tilespmem:$0x18080] =	vst v63  }
0x2f: {  	s2 =	rddreg [dreg:$0x9]  }
0x30: {  	[tilespmem:s2], [sflag:$0x1] =	stream.indirect_vreg.gather [hbm4b:s6+s3], $0x80, v4, vm0, $0xb8;
	[tilespmem:$0x18080] =	vst v63  }
0x31: {  	s10 =	rddreg [dreg:$0xa]  }
0x32: {  	[tilespmem:s10], [sflag:$0x1] =	stream.indirect_vreg.gather [hbm4b:s1+s3], $0x80, v3, vm0, $0xb8;
	[tilespmem:$0x18080] =	vst v63  }
0x33: {  	s2 =	rddreg [dreg:$0xb]  }
0x34: {  	[tilespmem:s2], [sflag:$0x1] =	stream.indirect_vreg.gather [hbm4b:s4+s3], $0x80, v3, vm0, $0xb8;
	[tilespmem:$0x18080] =	vst v63  }
0x35: {  	s10 =	rddreg [dreg:$0xc]  }
0x36: {  	[tilespmem:s10], [sflag:$0x1] =	stream.indirect_vreg.gather [hbm4b:s5+s3], $0x80, v3, vm0, $0xb8;
	[tilespmem:$0x18080] =	vst v63  }
0x37: {  	s2 =	rddreg [dreg:$0xd]  }
0x38: {  	[tilespmem:s2], [sflag:$0x1] =	stream.indirect_vreg.gather [hbm4b:s6+s3], $0x80, v3, vm0, $0xb8;
	[tilespmem:$0x18080] =	vst v63  }
0x39: {  	v3 =	vld [tilespmem:$0x10];
	_ =	sdelay $0x4  }
0x3a: {  	v61 =	vshll.u32 v3, $0x3  }
0x3b: {  	v3 =	vand.u32 $0x7, v3;
	v4 =	vand.u32 $0xFFFFFFC0, v61  }
0x3c: {  	v3 =	vor.u32 v3, v4  }
0x3d: {  	v4 =	vperm.xlane v3, v0;
	_ =	sdelay $0x1  }
0x3e: {  	v4 =	vadd.s32 v1, v4;
	_ =	sdelay $0x3  }
0x3f: {  	s2 =	rddreg [dreg:$0xe]  }
0x40: {  	[tilespmem:s2], [sflag:$0x1] =	stream.indirect_vreg.gather [hbm4b:s1+s3], $0x80, v4, vm0, $0xb8;
	[tilespmem:$0x18080] =	vst v63  }
0x41: {  	s10 =	rddreg [dreg:$0xf];
	v3 =	vperm.xlane v3, v2  }
0x42: {  	[tilespmem:s10], [sflag:$0x1] =	stream.indirect_vreg.gather [hbm4b:s4+s3], $0x80, v4, vm0, $0xb8;
	[tilespmem:$0x18080] =	vst v63  }
0x43: {  	v3 =	vadd.s32 v1, v3;
	s2 =	rddreg [dreg:$0x10]  }
0x44: {  	[tilespmem:s2], [sflag:$0x1] =	stream.indirect_vreg.gather [hbm4b:s5+s3], $0x80, v4, vm0, $0xb8;
	[tilespmem:$0x18080] =	vst v63  }
0x45: {  	s10 =	rddreg [dreg:$0x11]  }
0x46: {  	[tilespmem:s10], [sflag:$0x1] =	stream.indirect_vreg.gather [hbm4b:s6+s3], $0x80, v4, vm0, $0xb8;
	[tilespmem:$0x18080] =	vst v63  }
0x47: {  	s2 =	rddreg [dreg:$0x12]  }
0x48: {  	[tilespmem:s2], [sflag:$0x1] =	stream.indirect_vreg.gather [hbm4b:s1+s3], $0x80, v3, vm0, $0xb8;
	[tilespmem:$0x18080] =	vst v63  }
0x49: {  	s10 =	rddreg [dreg:$0x13]  }
0x4a: {  	[tilespmem:s10], [sflag:$0x1] =	stream.indirect_vreg.gather [hbm4b:s4+s3], $0x80, v3, vm0, $0xb8;
	[tilespmem:$0x18080] =	vst v63  }
0x4b: {  	s10 =	simm.s32 $0x7080  }
0x4c: {  	[tilespmem:s10], [sflag:$0x1] =	stream.indirect_vreg.gather [hbm4b:s5+s3], $0x80, v3, vm0, $0xb8;
	[tilespmem:$0x18080] =	vst v63  }
0x4d: {  	_ = 	snop  }
0x4e: {  	[tilespmem:s11], [sflag:$0x1] =	stream.indirect_vreg.gather [hbm4b:s6+s3], $0x80, v3, vm0, $0xb8;
	[tilespmem:$0x18080] =	vst v63  }
0x4f: {  	v3 =	vld [tilespmem:$0x20];
	_ =	sdelay $0x4  }
0x50: {  	v62 =	vshll.u32 v3, $0x3  }
0x51: {  	v3 =	vand.u32 $0x7, v3;
	v4 =	vand.u32 $0xFFFFFFC0, v62  }
0x52: {  	v3 =	vor.u32 v3, v4  }
0x53: {  	v4 =	vperm.xlane v3, v0;
	_ =	sdelay $0x1  }
0x54: {  	v4 =	vadd.s32 v1, v4;
	_ =	sdelay $0x4  }
0x55: {  	[tilespmem:s12], [sflag:$0x2] =	stream.indirect_vreg.gather [hbm4b:s1+s3], $0x80, v4, vm0, $0xb8;
	[tilespmem:$0x18080] =	vst v63  }
0x56: {  	v3 =	vperm.xlane v3, v2  }
0x57: {  	[tilespmem:s13], [sflag:$0x2] =	stream.indirect_vreg.gather [hbm4b:s4+s3], $0x80, v4, vm0, $0xb8;
	[tilespmem:$0x18080] =	vst v63  }
0x58: {  	v3 =	vadd.s32 v1, v3  }
0x59: {  	[tilespmem:s14], [sflag:$0x2] =	stream.indirect_vreg.gather [hbm4b:s5+s3], $0x80, v4, vm0, $0xb8;
	[tilespmem:$0x18080] =	vst v63  }
0x5a: {  	_ = 	snop  }
0x5b: {  	[tilespmem:s15], [sflag:$0x2] =	stream.indirect_vreg.gather [hbm4b:s6+s3], $0x80, v4, vm0, $0xb8;
	[tilespmem:$0x18080] =	vst v63  }
0x5c: {  	_ = 	snop  }
0x5d: {  	[tilespmem:s16], [sflag:$0x2] =	stream.indirect_vreg.gather [hbm4b:s1+s3], $0x80, v3, vm0, $0xb8;
	[tilespmem:$0x18080] =	vst v63  }
0x5e: {  	_ = 	snop  }
0x5f: {  	[tilespmem:s17], [sflag:$0x2] =	stream.indirect_vreg.gather [hbm4b:s4+s3], $0x80, v3, vm0, $0xb8;
	[tilespmem:$0x18080] =	vst v63  }
0x60: {  	_ = 	snop  }
0x61: {  	[tilespmem:s18], [sflag:$0x2] =	stream.indirect_vreg.gather [hbm4b:s5+s3], $0x80, v3, vm0, $0xb8;
	[tilespmem:$0x18080] =	vst v63  }
0x62: {  	_ = 	snop  }
0x63: {  	[tilespmem:s19], [sflag:$0x2] =	stream.indirect_vreg.gather [hbm4b:s6+s3], $0x80, v3, vm0, $0xb8;
	[tilespmem:$0x18080] =	vst v63  }
0x64: {  	v3 =	vld [tilespmem:$0x30];
	_ =	sdelay $0x4  }
0x65: {  	v63 =	vshll.u32 v3, $0x3  }
0x66: {  	v3 =	vand.u32 $0x7, v3;
	v4 =	vand.u32 $0xFFFFFFC0, v63  }
0x67: {  	v3 =	vor.u32 v3, v4  }
0x68: {  	v4 =	vperm.xlane v3, v0;
	_ =	sdelay $0x1  }
0x69: {  	v4 =	vadd.s32 v1, v4;
	_ =	sdelay $0x4  }
0x6a: {  	[tilespmem:s20], [sflag:$0x2] =	stream.indirect_vreg.gather [hbm4b:s1+s3], $0x80, v4, vm0, $0xb8;
	[tilespmem:$0x18080] =	vst v63  }
0x6b: {  	v3 =	vperm.xlane v3, v2  }
0x6c: {  	[tilespmem:s21], [sflag:$0x2] =	stream.indirect_vreg.gather [hbm4b:s4+s3], $0x80, v4, vm0, $0xb8;
	[tilespmem:$0x18080] =	vst v63  }
0x6d: {  	v3 =	vadd.s32 v1, v3  }
0x6e: {  	[tilespmem:s22], [sflag:$0x2] =	stream.indirect_vreg.gather [hbm4b:s5+s3], $0x80, v4, vm0, $0xb8;
	[tilespmem:$0x18080] =	vst v63  }
0x6f: {  	_ = 	snop  }
0x70: {  	[tilespmem:s23], [sflag:$0x2] =	stream.indirect_vreg.gather [hbm4b:s6+s3], $0x80, v4, vm0, $0xb8;
	[tilespmem:$0x18080] =	vst v63  }
0x71: {  	_ = 	snop  }
0x72: {  	[tilespmem:s24], [sflag:$0x2] =	stream.indirect_vreg.gather [hbm4b:s1+s3], $0x80, v3, vm0, $0xb8;
	[tilespmem:$0x18080] =	vst v63  }
0x73: {  	_ = 	snop  }
0x74: {  	[tilespmem:s25], [sflag:$0x2] =	stream.indirect_vreg.gather [hbm4b:s4+s3], $0x80, v3, vm0, $0xb8;
	[tilespmem:$0x18080] =	vst v63  }
0x75: {  	_ = 	snop  }
0x76: {  	[tilespmem:s26], [sflag:$0x2] =	stream.indirect_vreg.gather [hbm4b:s5+s3], $0x80, v3, vm0, $0xb8;
	[tilespmem:$0x18080] =	vst v63  }
0x77: {  	_ = 	snop  }
0x78: {  	[tilespmem:s28], [sflag:$0x2] =	stream.indirect_vreg.gather [hbm4b:s6+s3], $0x80, v3, vm0, $0xb8;
	[tilespmem:$0x18080] =	vst v63  }
0x79: {  	_ =	swait.ge [sflag:s29], $0x8000  }
0x7a: {  	[sflag:s29] =	ssyncset.done $0x0  }
0x7b: {  	s10 =	rddreg [dreg:$0x5];
	[sflag:s29] =	ssyncadd.s32 $0xFFFF8000  }
0x7c: {  	[hbm4b:s10+s3] =	stream.linear.scatter [tilespmem:s9], [sflag:$0x3], $0x8000, $0x38;
	[tilespmem:$0x18080] =	vst v63  }
0x7d: {  	_ =	swait.ge [sflag:s30], $0x8000  }
0x7e: {  	[sflag:s30] =	ssyncset.done $0x0  }
0x7f: {  	s10 =	rddreg [dreg:$0x6];
	[sflag:s30] =	ssyncadd.s32 $0xFFFF8000  }
0x80: {  	[hbm4b:s10+s3] =	stream.linear.scatter [tilespmem:s12], [sflag:$0x4], $0x8000, $0x38;
	[tilespmem:$0x18080] =	vst v63  }
0x81: {  	p0 =	sne.s32 s7, $0x1;
	_ =	swait.ge [sflag:s31], $0x8000  }
.Ltmp0:
0x82: {  	[sflag:s31] =	ssyncset.done $0x0;
	(pc) =	sbr.rel @p0 .LBB2_1-.Ltmp0, $4  }
0x83: {  	[sflag:s31] =	ssyncadd.s32 $0xFFFF8000  }
0x84: {  	_ =	swait.ge [sflag:s0], $0x8000  }
0x85: {  	[sflag:s0] =	ssyncset.done $0x0  }
0x86: {  	s7 =	sadd.s32 $0xFFFFFFFF, s7;
	[sflag:s0] =	ssyncadd.s32 $0xFFFF8000  }
0x87: {  	_ =	sfence.sel $0x180000  }
0x88: {  	[bflag:$0x0] =	sbarrier.arrive $0xFFFF  }
0x89: {  	_ =	strace $0x9000004D  }
0x8a: {  	s0 =	stileid.u32;
	[bflag:$0x2] =	sbarrier.arrive $0xFFFF  }
0x8b: {  	p0 =	sne.s32 s0, $0x0;
	s0 =	rddreg [dreg:$0x3]  }
0x8c: {  	s0 =	sadd.s32 @!p0 $0x100000, s0  }
0x8d: {  	[sflag:s0] =	ssyncadd.tile.s32 @!p0 $0x1;
	_ =	shalt  }
.Lfunc_end2:
_tile_overlayer_lowered:
.L_overlay_start_2:
0x8e: {  	(tag) =	ssettag $0x2  }
0x8f: {  	s0 =	rddreg [dreg:$0x0];
	s2 =	stileid.u32  }
0x90: {  	s1 =	rddreg [dreg:$0x1];
	p0 =	sne.s32 s2, $0x0  }
0x91: {  	s3 =	rddreg [dreg:$0x2];
	[bflag:$0x3] =	sbarrier.arrive $0xFFFF;
	s2 =	simm.s32 @!p0 $0x1C05  }
0x92: {  	[timem:s3], [sflag:s2] =	dma.local @!p0 [hbm:s0], s1  }
0x93: {  	s0 =	simm.s32 @!p0 $0x5  }
0x94: {  	_ =	swait.ge @!p0 [sflag:s0], s1  }
0x95: {  	s1 =	ssub.s32 @!p0 $0x0, s1;
	[sflag:s0] =	ssyncset.done @!p0 $0x0  }
0x96: {  	[sflag:s0] =	ssyncadd.s32 @!p0 s1  }
0x97: {  	[bflag:$0x3] =	sbarrier.arrive $0xFFFF  }
0x98: {  	_ =	shalt  }

// kernel: kernel.19.cloned.1.call-start
scs
__scs_entry_jumppad:
0x0: {  	(pc) =	sbr.rel $0x88, $3  }
0x1: {  	(tag) =	ssettag $0x0;
	lr =	simm.s32 $0x1  }
0x2: {  	[smem:$0x3F9C] =	sst lr;
	_ =	strace $0xD0000000  }
0x3: {  	_ = 	snop  }
0x4: {  	_ = 	snop  }
0x5: {  	_ = 	snop  }
0x6: {  	_ = 	snop  }
0x7: {  	_ = 	snop  }
__scs_overlays_trampoline_lowered:
0x8: {  	[smem:$0x3FAB] =	sst s0  }
0x9: {  	[smem:$0x3FAC] =	sst s1  }
0xa: {  	[smem:$0x3FAD] =	sst s2  }
0xb: {  	[smem:$0x3FAE] =	sst s3  }
0xc: {  	[smem:$0x3FAF] =	sst s4  }
0xd: {  	[smem:$0x3FB0] =	sst s5  }
0xe: {  	[smem:$0x3FB1] =	sst s6  }
0xf: {  	[smem:$0x3FB2] =	sst s7  }
0x10: {  	[smem:$0x3FB3] =	sst s8  }
0x11: {  	[smem:$0x3FB4] =	sst s9;
	s0 =	simm.s32 @!p0 $0x0  }
0x12: {  	s1 =	sld [smem:$0x3F9A];
	s0 =	simm.s32 @p0 $0x1  }
0x13: {  	[smem:$0x3FB5] =	sst s0;
	s0 =	simm.s32 @!p1 $0x0  }
0x14: {  	s2 =	sld [smem:$0x3F99];
	s0 =	simm.s32 @p1 $0x1  }
0x15: {  	[smem:$0x3FB6] =	sst s0;
	s0 =	simm.s32 @!p2 $0x0  }
0x16: {  	s3 =	sld [smem:$0x3FDB];
	s0 =	simm.s32 @p2 $0x1  }
0x17: {  	s4 =	simm.s32 $0x1BF5;
	[smem:$0x3FB8] =	sst s0  }
0x18: {  	s0 =	sld [smem:$0x3F9B];
	_ =	swait.ge [sflag:s4], $0x0  }
0x19: {  	s7 =	sld [smem:$0x3F9C]  }
0x1a: {  	s8 =	sadd.s32 $0xFFFFE003, lr  }
0x1b: {  	s9 =	sadd.s32 $0xFFFFFEF7, lr;
	s5 =	simm.s32 $0xFFFFFFFF;
	p2 =	slt.u32 s8, $0xFFFFF086  }
0x1c: {  	p1 =	slt.u32 s9, $0xF7A;
	s5 =	simm.s32 @!p2 $0x0  }
0x1d: {  	s5 =	simm.s32 @p1 $0x1;
	p0 =	seq.s32 s7, s2  }
0x1e: {  	s7 =	smul.u32 @!p0 $0xF7A, s2;
	p2 =	seq.s32 @!p0 s5, $0x0  }
0x1f: {  	s9 =	smul.u32 $0xF7A, s1;
	s8 =	simm.s32 @!p0 $0x1BF5;
	p2 =	por !p2, p0  }
0x20: {  	[sflag:s8] =	ssyncset.s32 @!p0 $0xFFFFF086;
	s6 =	sadd.s32 @!p0 s3, s7;
	s7 =	simm.s32 @!p0 $0x108  }
0x21: {  	s3 =	sadd.s32 s3, s9;
	s6 =	sadd.s32 @!p0 $0x88, s6;
	s7 =	simm.s32 @p2 $0x1082  }
0x22: {  	[simem:s7], [sflag:s8] =	dma.local @!p0 [hbm:s6], $0xF7A  }
0x23: {  	s9 =	sor.u32 $0xD0000000, s2;
	s6 =	simm.s32 $0x108;
	_ =	swait.ge @!p0 [sflag:s8], $0x0  }
0x24: {  	s3 =	sadd.s32 $0x88, s3;
	s6 =	simm.s32 @!p1 $0x1082;
	[sflag:s4] =	ssyncset.s32 $0xFFFFF086  }
0x25: {  	[simem:s6], [sflag:s4] =	dma.local [hbm:s3], $0xF7A  }
0x26: {  	[smem:$0x3F9C] =	sst s1;
	(tag) =	ssettag s2;
	_ =	strace s9  }
0x27: {  	s1 =	sld [smem:$0x3FAC]  }
0x28: {  	s2 =	sld [smem:$0x3FAD]  }
0x29: {  	s4 =	sld [smem:$0x3FAF]  }
0x2a: {  	p0 =	seq.s32 s5, $0x0;
	s5 =	sld [smem:$0x3FB0]  }
0x2b: {  	s6 =	sld [smem:$0x3FB1]  }
0x2c: {  	s7 =	sld [smem:$0x3FB2]  }
0x2d: {  	s3 =	simm.s32 $0x108;
	s8 =	sld [smem:$0x3FB3]  }
0x2e: {  	s3 =	simm.s32 @!p0 $0x1082;
	s9 =	sld [smem:$0x3FB4]  }
0x2f: {  	lr =	sadd.s32 s0, s3;
	s0 =	sld [smem:$0x3FAB]  }
0x30: {  	s3 =	sld [smem:$0x3FAE]  }
0x31: {  	[smem:$0x3FB7] =	sst s10  }
0x32: {  	s10 =	sld [smem:$0x3FB5];
	_ =	sdelay $0x3  }
0x33: {  	p0 =	seq.s32 s10, $0x1;
	s10 =	sld [smem:$0x3FB7];
	_ =	sdelay $0x3  }
0x34: {  	[smem:$0x3FB7] =	sst s10  }
0x35: {  	s10 =	sld [smem:$0x3FB6];
	_ =	sdelay $0x3  }
0x36: {  	p1 =	seq.s32 s10, $0x1;
	s10 =	sld [smem:$0x3FB7];
	_ =	sdelay $0x3  }
0x37: {  	[smem:$0x3FB7] =	sst s10  }
0x38: {  	s10 =	sld [smem:$0x3FB8]  }
0x39: {  	_ = 	snop;
	(pc) =	sbr.ind lr, $3  }
0x3a: {  	_ = 	snop  }
0x3b: {  	_ = 	snop  }
0x3c: {  	p2 =	seq.s32 s10, $0x1;
	s10 =	sld [smem:$0x3FB7]  }
0x3d: {  	_ =	shalt  }
0x3e: {  	_ =	shalt  }
0x3f: {  	_ =	shalt  }
0x40: {  	_ =	shalt  }
0x41: {  	_ =	shalt  }
0x42: {  	_ =	shalt  }
0x43: {  	_ =	shalt  }
0x44: {  	_ =	shalt  }
0x45: {  	_ =	shalt  }
0x46: {  	_ =	shalt  }
0x47: {  	_ =	shalt  }
0x48: {  	_ =	shalt  }
0x49: {  	_ =	shalt  }
0x4a: {  	_ =	shalt  }
0x4b: {  	_ =	shalt  }
0x4c: {  	_ =	shalt  }
0x4d: {  	_ =	shalt  }
0x4e: {  	_ =	shalt  }
0x4f: {  	_ =	shalt  }
0x50: {  	_ =	shalt  }
0x51: {  	_ =	shalt  }
0x52: {  	_ =	shalt  }
0x53: {  	_ =	shalt  }
0x54: {  	_ =	shalt  }
0x55: {  	_ =	shalt  }
0x56: {  	_ =	shalt  }
0x57: {  	_ =	shalt  }
0x58: {  	_ =	shalt  }
0x59: {  	_ =	shalt  }
0x5a: {  	_ =	shalt  }
0x5b: {  	_ =	shalt  }
0x5c: {  	_ =	shalt  }
0x5d: {  	_ =	shalt  }
0x5e: {  	_ =	shalt  }
0x5f: {  	_ =	shalt  }
0x60: {  	_ =	shalt  }
0x61: {  	_ =	shalt  }
0x62: {  	_ =	shalt  }
0x63: {  	_ =	shalt  }
0x64: {  	_ =	shalt  }
0x65: {  	_ =	shalt  }
0x66: {  	_ =	shalt  }
0x67: {  	_ =	shalt  }
0x68: {  	_ =	shalt  }
0x69: {  	_ =	shalt  }
0x6a: {  	_ =	shalt  }
0x6b: {  	_ =	shalt  }
0x6c: {  	_ =	shalt  }
0x6d: {  	_ =	shalt  }
0x6e: {  	_ =	shalt  }
0x6f: {  	_ =	shalt  }
0x70: {  	_ =	shalt  }
0x71: {  	_ =	shalt  }
0x72: {  	_ =	shalt  }
0x73: {  	_ =	shalt  }
0x74: {  	_ =	shalt  }
0x75: {  	_ =	shalt  }
0x76: {  	_ =	shalt  }
0x77: {  	_ =	shalt  }
0x78: {  	_ =	shalt  }
0x79: {  	_ =	shalt  }
0x7a: {  	_ =	shalt  }
0x7b: {  	_ =	shalt  }
0x7c: {  	_ =	shalt  }
0x7d: {  	_ =	shalt  }
0x7e: {  	_ =	shalt  }
0x7f: {  	_ =	shalt  }
0x80: {  	_ =	shalt  }
0x81: {  	_ =	shalt  }
0x82: {  	_ =	shalt  }
0x83: {  	_ =	shalt  }
0x84: {  	_ =	shalt  }
0x85: {  	_ =	shalt  }
0x86: {  	_ =	shalt  }
0x87: {  	_ =	shalt  }
.Lfunc_end0:
.L_simem_size_0:
called_computation.3_lowered:
.L_overlay_start_0:
0x88: {  	s2 =	sld [smem:$0x3FD9]  }
0x89: {  	s3 =	sld [smem:$0x3FFE];
	_ =	sdelay $0x1  }
0x8a: {  	s1 =	srdreg.scid  }
0x8b: {  	s0 =	sand.u32 $0x1, s1  }
0x8c: {  	s17 =	sshll.u32 s0, $0xA;
	s2 =	sadd.s32 s3, s2  }
0x8d: {  	s2 =	sadd.s32 s2, s17  }
0x8e: {  	[smem:$0x3FC3] =	sst s2  }
0x8f: {  	_ = 	snop  }
0x90: {  	s18 =	sld [smem:$0x3FC9]  }
0x91: {  	s4 =	sld [smem:$0x3FC7];
	(tm) =	ssettm $0x1  }
0x92: {  	s19 =	sld [smem:$0x3FFB];
	_ =	sdelay $0x3  }
0x93: {  	_ =	strace s19  }
0x94: {  	s2 =	sld [smem:$0x3FFC];
	_ =	sdelay $0x3  }
0x95: {  	_ =	strace s2  }
0x96: {  	s2 =	sld [smem:$0x3FFD];
	_ =	sdelay $0x3  }
0x97: {  	_ =	strace s2  }
0x98: {  	_ =	strace $0x8FFFFFFF  }
0x99: {  	s20 =	sld [smem:$0x3FDB];
	_ =	sdelay $0x1  }
0x9a: {  	s5 =	simm.s32 $_scs_section_size  }
0x9b: {  	s6 =	simm.s32 $_size__tile_overlayer_lowered;
	s7 =	simm.s32 $_tile_overlayer_lowered  }
0x9c: {  	s8 =	simm.s32 $0x1BFF;
	s21 =	sshll.u32 s7, $0x1;
	s5 =	sadd.s32 s5, s20  }
0x9d: {  	s22 =	simm.s32 $0x0;
	s6 =	sshll.u32 s6, $0x1;
	s7 =	sadd.s32 s21, s5  }
0x9e: {  	[timem:s22], [sflag:s8] =	dma.local [hbm:s7], s6  }
0x9f: {  	_ =	swait.ge [sflag:s8], s6  }
0xa0: {  	s6 =	ssub.s32 $0x0, s6;
	[sflag:s8] =	ssyncset.done $0x0  }
0xa1: {  	[sflag:s8] =	ssyncadd.s32 s6;
	_ =	sdelay $0x1  }
0xa2: {  	s23 =	simm.s32 $0x1B8B  }
0xa3: {  	_ =	swait.ge [sflag:s23], $0x1  }
0xa4: {  	[sflag:s23] =	ssyncset.done $0x0  }
0xa5: {  	[sflag:s23] =	ssyncadd.s32 $0xFFFFFFFF  }
0xa6: {  	s6 =	sld [smem:$0x0]  }
0xa7: {  	s7 =	sand.u32 $0xFFFFFFFE, s1  }
0xa8: {  	p0 =	sne.s32 s1, s7  }
0xa9: {  	s7 =	sshll.u32 @p0 s7, $0xE  }
0xaa: {  	s7 =	sadd.s32 @p0 $0x11B8D, s7;
	s8 =	sshll.u32 @p0 s6, $0x11  }
0xab: {  	s7 =	sor.u32 @p0 s8, s7  }
0xac: {  	[sflag:s7] =	ssyncadd.remote.s32 @p0 $0x1;
	_ =	sdelay $0x1  }
0xad: {  	s7 =	simm.s32 @p0 $0x1B8D  }
0xae: {  	_ =	swait.eq @p0 [sflag:s7], $0x1  }
0xaf: {  	[sflag:s7] =	ssyncadd.s32 @p0 $0xFFFFFFFF  }
0xb0: {  	s8 =	sshll.u32 @!p0 s1, $0xE  }
0xb1: {  	s8 =	sor.u32 @!p0 $0x4000, s8;
	s7 =	simm.s32 @!p0 $0x1B8D  }
0xb2: {  	s6 =	sshll.u32 @!p0 s6, $0x11;
	s8 =	sadd.s32 @!p0 $0x11B8D, s8;
	_ =	swait.eq @!p0 [sflag:s7], $0x1  }
0xb3: {  	s6 =	sor.u32 @!p0 s6, s8;
	[sflag:s7] =	ssyncadd.s32 @!p0 $0xFFFFFFFF  }
0xb4: {  	s25 =	simm.s32 $0x1B8E;
	s24 =	sld [smem:$0x3FFE];
	[sflag:s6] =	ssyncadd.remote.s32 @!p0 $0x1  }
0xb5: {  	s26 =	simm.s32 $execute0_lowered;
	[smem:$0x3FD2] =	sst s25  }
0xb6: {  	s7 =	sshll.u32 s26, $0x1;
	_ =	strace $0x8000004F;
	[dreg:$0x1] =	wrdreg $0xFFFFFFFF  }
0xb7: {  	s28 =	simm.s32 $_size_execute0_lowered;
	s5 =	sadd.s32 s5, s7;
	[dreg:$0x0] =	wrdreg $0x0  }
0xb8: {  	s7 =	sshll.u32 s28, $0x1;
	[dreg:$0x2] =	wrdreg s5  }
0xb9: {  	[dreg:$0x3] =	wrdreg s7  }
0xba: {  	[dreg:$0x4] =	wrdreg $0xC0  }
0xbb: {  	_ =	task [dreg:s22], $0x5FFFF  }
0xbc: {  	[dreg:$0x1] =	wrdreg $0xFFFFFFFF  }
0xbd: {  	[dreg:$0x0] =	wrdreg $0x60  }
0xbe: {  	[dreg:$0x2] =	wrdreg s18  }
0xbf: {  	[dreg:$0x3] =	wrdreg s4  }
0xc0: {  	[dreg:$0x4] =	wrdreg s24  }
0xc1: {  	[dreg:$0x5] =	wrdreg $0xC  }
0xc2: {  	_ =	task.clear_ibuf [dreg:s22], $0x6FFFF;
	_ =	strace $0x9000004F  }
0xc3: {  	s29 =	simm.s32 $0xC;
	_ =	strace $0x80000051  }
0xc4: {  	_ =	swait.ge [sflag:s29], $0x1  }
0xc5: {  	[sflag:s29] =	ssyncadd.s32 $0xFFFFFFFF  }
0xc6: {  	_ =	strace $0x90000051  }
0xc7: {  	_ =	sfence  }
0xc8: {  	s30 =	sld [smem:$0x0];
	_ =	sdelay $0x2  }
0xc9: {  	s31 =	sshll.u32 s1, $0xD;
	s1 =	sshrl.u32 s1, $0x2  }
0xca: {  	s4 =	sand.u32 $0x4000, s31;
	s1 =	sadd.s32 s1, s30  }
0xcb: {  	s0 =	sor.u32 s4, s0;
	s1 =	sshll.u32 s1, $0x11  }
0xcc: {  	s0 =	sor.u32 s1, s0  }
0xcd: {  	s0 =	sadd.s32 $0x8F2B, s0  }
0xce: {  	[sflag:s0] =	ssyncadd.remote.s32 $0x1  }
0xcf: {  	_ =	sfence.sel $0xFFFF  }
0xd0: {  	[dreg:$0x0] =	wrdreg $0xFFFFFFFF;
	(pc) =	sbr.abs _section_cstart, $3  }
0xd1: {  	[dreg:$0x1] =	wrdreg $0xFFFFFFFF  }
0xd2: {  	_ =	task.clear_ibuf [dreg:s22], $0x2FFFF;
	_ =	strace $0x9FFFFFFF  }
0xd3: {  	(tm) =	ssettm $0x7FFFFFFF  }
tec
execute0_lowered:
.L_overlay_start_1:
0x0: {  	(tag) =	ssettag $0x1  }
0x1: {  	s0 =	rddreg [dreg:$0x0]  }
0x2: {  	s1 =	rddreg [dreg:$0x1]  }
0x3: {  	s4 =	rddreg [dreg:$0x2];
	s3 =	simm.s32 $0x0  }
0x4: {  	s5 =	srdreg.scid;
	s2 =	stileid.u32;
	s12 =	simm.s32 $0x880  }
0x5: {  	s13 =	simm.s32 $0x1080;
	s14 =	simm.s32 $0x1880;
	[smem:$0x7FF] =	sst s3  }
0x6: {  	s15 =	simm.s32 $0x2080;
	_ =	strace $0x80000050;
	[dreg:$0x7] =	wrdreg s12  }
0x7: {  	s16 =	simm.s32 $0x2880;
	s18 =	simm.s32 $0x3080;
	[dreg:$0x8] =	wrdreg s13  }
0x8: {  	s19 =	simm.s32 $0x3880;
	s21 =	simm.s32 $0x4080;
	[dreg:$0x9] =	wrdreg s14  }
0x9: {  	s22 =	simm.s32 $0x4880;
	s23 =	simm.s32 $0x5080;
	[dreg:$0xa] =	wrdreg s15  }
0xa: {  	s24 =	simm.s32 $0x5880;
	s25 =	simm.s32 $0x6080;
	[dreg:$0xb] =	wrdreg s16  }
0xb: {  	s26 =	simm.s32 $0x6880;
	s28 =	simm.s32 $0xF880;
	[dreg:$0xc] =	wrdreg s18  }
0xc: {  	s29 =	simm.s32 $0x1;
	s30 =	simm.s32 $0x2;
	[dreg:$0xd] =	wrdreg s19  }
0xd: {  	s31 =	simm.s32 $0x3;
	s5 =	sand.u32 $0x1, s5;
	[dreg:$0xe] =	wrdreg s21  }
0xe: {  	s6 =	sshll.u32 s2, $0x1;
	s7 =	sshrl.u32 s2, $0x2;
	[dreg:$0xf] =	wrdreg s22  }
0xf: {  	s8 =	sshll.u32 s2, $0x6;
	s6 =	sand.u32 $0x6, s6;
	[dreg:$0x10] =	wrdreg s23  }
0x10: {  	s9 =	sshll.u32 s7, $0x4;
	s10 =	sshll.u32 s5, $0x3;
	[dreg:$0x11] =	wrdreg s24  }
0x11: {  	s7 =	sshll.u32 s7, $0x10;
	s17 =	ssub.s32 $0x2, s5;
	[dreg:$0x12] =	wrdreg s25  }
0x12: {  	[dreg:$0x13] =	wrdreg s26;
	s12 =	simm.s32 $0x8080;
	s13 =	simm.s32 $0x8880  }
0x13: {  	s14 =	simm.s32 $0x9080;
	s15 =	simm.s32 $0x9880;
	s16 =	simm.s32 $0xA080  }
0x14: {  	s18 =	simm.s32 $0xB080;
	s19 =	simm.s32 $0xB880;
	s21 =	simm.s32 $0xC880  }
0x15: {  	s22 =	simm.s32 $0xD080;
	s23 =	simm.s32 $0xD880;
	s24 =	simm.s32 $0xE080  }
0x16: {  	s25 =	simm.s32 $0xE880;
	s26 =	simm.s32 $0xF080;
	s6 =	sor.u32 s5, s6  }
0x17: {  	s8 =	sor.u32 s8, s9;
	s5 =	sshrl.u32 s17, $0x1;
	s6 =	sshll.u32 s6, $0xD  }
0x18: {  	s8 =	sor.u32 s10, s8;
	s20 =	ssub.s32 s17, s5;
	s5 =	sadd.s32 $0x200, s1  }
0x19: {  	s17 =	simm.s32 $0xA880;
	s6 =	sor.u32 s7, s6;
	s9 =	sor.u32 $0x300, s8  }
0x1a: {  	s7 =	smax.u32 s20, $0x1;
	s8 =	simm.s32 $0x5;
	s20 =	simm.s32 $0xC080  }
0x1b: {  	s4 =	sadd.s32 s6, s4;
	s0 =	sadd.s32 s0, s9;
	s6 =	sadd.s32 $0x300, s1  }
0x1c: {  	v2 =	vlaneseq.u32;
	s9 =	simm.s32 $0x80;
	[dreg:$0x4] =	wrdreg s0;
	s10 =	sadd.s32 $0x81C00, s4  }
0x1d: {  	vm0 =	vmmov $0xffff;
	v1 =	vshrl.u32 v2, $0x3;
	s11 =	sadd.s32 $0x82C00, s4;
	s4 =	sadd.s32 $0x100, s1;
	[dreg:$0x5] =	wrdreg s10  }
0x1e: {  	v0 =	vand.u32 $0x7, v2;
	v2 =	vor.u32 $0x8, v2;
	v1 =	vmul.u32 $0x8, v1;
	s0 =	simm.s32 $0x4;
	[dreg:$0x6] =	wrdreg s11;
	s11 =	simm.s32 $0x7880  }
.LBB2_1:
0x1f: {  	s2 =	rddreg [dreg:$0x4]  }
0x20: {  	[tilespmem:s3], [sflag:$0x5] =	stream.linear.gather [hbm4b:s2+s3], $0x40, $0x38;
	[tilespmem:$0x18080] =	vst v63  }
0x21: {  	_ =	swait.ge [sflag:s8], $0x40  }
0x22: {  	[sflag:s8] =	ssyncset.done $0x0  }
0x23: {  	[sflag:s8] =	ssyncadd.s32 $0xFFFFFFC0  }
0x24: {  	v3 =	vld [tilespmem:$0x0];
	_ =	sdelay $0x4  }
0x25: {  	v4 =	vshll.u32 v3, $0x3  }
0x26: {  	v3 =	vand.u32 $0x7, v3;
	v4 =	vand.u32 $0xFFFFFFC0, v4  }
0x27: {  	v3 =	vor.u32 v3, v4  }
0x28: {  	v4 =	vperm.xlane v3, v0;
	_ =	sdelay $0x1  }
0x29: {  	v4 =	vadd.s32 v1, v4;
	_ =	sdelay $0x4  }
0x2a: {  	[tilespmem:s9], [sflag:$0x1] =	stream.indirect_vreg.gather [hbm4b:s1+s3], $0x80, v4, vm0, $0xb8;
	[tilespmem:$0x18080] =	vst v63  }
0x2b: {  	s2 =	rddreg [dreg:$0x7];
	v3 =	vperm.xlane v3, v2  }
0x2c: {  	[tilespmem:s2], [sflag:$0x1] =	stream.indirect_vreg.gather [hbm4b:s4+s3], $0x80, v4, vm0, $0xb8;
	[tilespmem:$0x18080] =	vst v63  }
0x2d: {  	s10 =	rddreg [dreg:$0x8];
	v3 =	vadd.s32 v1, v3  }
0x2e: {  	[tilespmem:s10], [sflag:$0x1] =	stream.indirect_vreg.gather [hbm4b:s5+s3], $0x80, v4, vm0, $0xb8;
	[tilespmem:$0x18080] =	vst v63  }
0x2f: {  	s2 =	rddreg [dreg:$0x9]  }
0x30: {  	[tilespmem:s2], [sflag:$0x1] =	stream.indirect_vreg.gather [hbm4b:s6+s3], $0x80, v4, vm0, $0xb8;
	[tilespmem:$0x18080] =	vst v63  }
0x31: {  	s10 =	rddreg [dreg:$0xa]  }
0x32: {  	[tilespmem:s10], [sflag:$0x1] =	stream.indirect_vreg.gather [hbm4b:s1+s3], $0x80, v3, vm0, $0xb8;
	[tilespmem:$0x18080] =	vst v63  }
0x33: {  	s2 =	rddreg [dreg:$0xb]  }
0x34: {  	[tilespmem:s2], [sflag:$0x1] =	stream.indirect_vreg.gather [hbm4b:s4+s3], $0x80, v3, vm0, $0xb8;
	[tilespmem:$0x18080] =	vst v63  }
0x35: {  	s10 =	rddreg [dreg:$0xc]  }
0x36: {  	[tilespmem:s10], [sflag:$0x1] =	stream.indirect_vreg.gather [hbm4b:s5+s3], $0x80, v3, vm0, $0xb8;
	[tilespmem:$0x18080] =	vst v63  }
0x37: {  	s2 =	rddreg [dreg:$0xd]  }
0x38: {  	[tilespmem:s2], [sflag:$0x1] =	stream.indirect_vreg.gather [hbm4b:s6+s3], $0x80, v3, vm0, $0xb8;
	[tilespmem:$0x18080] =	vst v63  }
0x39: {  	v3 =	vld [tilespmem:$0x10];
	_ =	sdelay $0x4  }
0x3a: {  	v61 =	vshll.u32 v3, $0x3  }
0x3b: {  	v3 =	vand.u32 $0x7, v3;
	v4 =	vand.u32 $0xFFFFFFC0, v61  }
0x3c: {  	v3 =	vor.u32 v3, v4  }
0x3d: {  	v4 =	vperm.xlane v3, v0;
	_ =	sdelay $0x1  }
0x3e: {  	v4 =	vadd.s32 v1, v4;
	_ =	sdelay $0x3  }
0x3f: {  	s2 =	rddreg [dreg:$0xe]  }
0x40: {  	[tilespmem:s2], [sflag:$0x1] =	stream.indirect_vreg.gather [hbm4b:s1+s3], $0x80, v4, vm0, $0xb8;
	[tilespmem:$0x18080] =	vst v63  }
0x41: {  	s10 =	rddreg [dreg:$0xf];
	v3 =	vperm.xlane v3, v2  }
0x42: {  	[tilespmem:s10], [sflag:$0x1] =	stream.indirect_vreg.gather [hbm4b:s4+s3], $0x80, v4, vm0, $0xb8;
	[tilespmem:$0x18080] =	vst v63  }
0x43: {  	v3 =	vadd.s32 v1, v3;
	s2 =	rddreg [dreg:$0x10]  }
0x44: {  	[tilespmem:s2], [sflag:$0x1] =	stream.indirect_vreg.gather [hbm4b:s5+s3], $0x80, v4, vm0, $0xb8;
	[tilespmem:$0x18080] =	vst v63  }
0x45: {  	s10 =	rddreg [dreg:$0x11]  }
0x46: {  	[tilespmem:s10], [sflag:$0x1] =	stream.indirect_vreg.gather [hbm4b:s6+s3], $0x80, v4, vm0, $0xb8;
	[tilespmem:$0x18080] =	vst v63  }
0x47: {  	s2 =	rddreg [dreg:$0x12]  }
0x48: {  	[tilespmem:s2], [sflag:$0x1] =	stream.indirect_vreg.gather [hbm4b:s1+s3], $0x80, v3, vm0, $0xb8;
	[tilespmem:$0x18080] =	vst v63  }
0x49: {  	s10 =	rddreg [dreg:$0x13]  }
0x4a: {  	[tilespmem:s10], [sflag:$0x1] =	stream.indirect_vreg.gather [hbm4b:s4+s3], $0x80, v3, vm0, $0xb8;
	[tilespmem:$0x18080] =	vst v63  }
0x4b: {  	s10 =	simm.s32 $0x7080  }
0x4c: {  	[tilespmem:s10], [sflag:$0x1] =	stream.indirect_vreg.gather [hbm4b:s5+s3], $0x80, v3, vm0, $0xb8;
	[tilespmem:$0x18080] =	vst v63  }
0x4d: {  	_ = 	snop  }
0x4e: {  	[tilespmem:s11], [sflag:$0x1] =	stream.indirect_vreg.gather [hbm4b:s6+s3], $0x80, v3, vm0, $0xb8;
	[tilespmem:$0x18080] =	vst v63  }
0x4f: {  	v3 =	vld [tilespmem:$0x20];
	_ =	sdelay $0x4  }
0x50: {  	v62 =	vshll.u32 v3, $0x3  }
0x51: {  	v3 =	vand.u32 $0x7, v3;
	v4 =	vand.u32 $0xFFFFFFC0, v62  }
0x52: {  	v3 =	vor.u32 v3, v4  }
0x53: {  	v4 =	vperm.xlane v3, v0;
	_ =	sdelay $0x1  }
0x54: {  	v4 =	vadd.s32 v1, v4;
	_ =	sdelay $0x4  }
0x55: {  	[tilespmem:s12], [sflag:$0x2] =	stream.indirect_vreg.gather [hbm4b:s1+s3], $0x80, v4, vm0, $0xb8;
	[tilespmem:$0x18080] =	vst v63  }
0x56: {  	v3 =	vperm.xlane v3, v2  }
0x57: {  	[tilespmem:s13], [sflag:$0x2] =	stream.indirect_vreg.gather [hbm4b:s4+s3], $0x80, v4, vm0, $0xb8;
	[tilespmem:$0x18080] =	vst v63  }
0x58: {  	v3 =	vadd.s32 v1, v3  }
0x59: {  	[tilespmem:s14], [sflag:$0x2] =	stream.indirect_vreg.gather [hbm4b:s5+s3], $0x80, v4, vm0, $0xb8;
	[tilespmem:$0x18080] =	vst v63  }
0x5a: {  	_ = 	snop  }
0x5b: {  	[tilespmem:s15], [sflag:$0x2] =	stream.indirect_vreg.gather [hbm4b:s6+s3], $0x80, v4, vm0, $0xb8;
	[tilespmem:$0x18080] =	vst v63  }
0x5c: {  	_ = 	snop  }
0x5d: {  	[tilespmem:s16], [sflag:$0x2] =	stream.indirect_vreg.gather [hbm4b:s1+s3], $0x80, v3, vm0, $0xb8;
	[tilespmem:$0x18080] =	vst v63  }
0x5e: {  	_ = 	snop  }
0x5f: {  	[tilespmem:s17], [sflag:$0x2] =	stream.indirect_vreg.gather [hbm4b:s4+s3], $0x80, v3, vm0, $0xb8;
	[tilespmem:$0x18080] =	vst v63  }
0x60: {  	_ = 	snop  }
0x61: {  	[tilespmem:s18], [sflag:$0x2] =	stream.indirect_vreg.gather [hbm4b:s5+s3], $0x80, v3, vm0, $0xb8;
	[tilespmem:$0x18080] =	vst v63  }
0x62: {  	_ = 	snop  }
0x63: {  	[tilespmem:s19], [sflag:$0x2] =	stream.indirect_vreg.gather [hbm4b:s6+s3], $0x80, v3, vm0, $0xb8;
	[tilespmem:$0x18080] =	vst v63  }
0x64: {  	v3 =	vld [tilespmem:$0x30];
	_ =	sdelay $0x4  }
0x65: {  	v63 =	vshll.u32 v3, $0x3  }
0x66: {  	v3 =	vand.u32 $0x7, v3;
	v4 =	vand.u32 $0xFFFFFFC0, v63  }
0x67: {  	v3 =	vor.u32 v3, v4  }
0x68: {  	v4 =	vperm.xlane v3, v0;
	_ =	sdelay $0x1  }
0x69: {  	v4 =	vadd.s32 v1, v4;
	_ =	sdelay $0x4  }
0x6a: {  	[tilespmem:s20], [sflag:$0x2] =	stream.indirect_vreg.gather [hbm4b:s1+s3], $0x80, v4, vm0, $0xb8;
	[tilespmem:$0x18080] =	vst v63  }
0x6b: {  	v3 =	vperm.xlane v3, v2  }
0x6c: {  	[tilespmem:s21], [sflag:$0x2] =	stream.indirect_vreg.gather [hbm4b:s4+s3], $0x80, v4, vm0, $0xb8;
	[tilespmem:$0x18080] =	vst v63  }
0x6d: {  	v3 =	vadd.s32 v1, v3  }
0x6e: {  	[tilespmem:s22], [sflag:$0x2] =	stream.indirect_vreg.gather [hbm4b:s5+s3], $0x80, v4, vm0, $0xb8;
	[tilespmem:$0x18080] =	vst v63  }
0x6f: {  	_ = 	snop  }
0x70: {  	[tilespmem:s23], [sflag:$0x2] =	stream.indirect_vreg.gather [hbm4b:s6+s3], $0x80, v4, vm0, $0xb8;
	[tilespmem:$0x18080] =	vst v63  }
0x71: {  	_ = 	snop  }
0x72: {  	[tilespmem:s24], [sflag:$0x2] =	stream.indirect_vreg.gather [hbm4b:s1+s3], $0x80, v3, vm0, $0xb8;
	[tilespmem:$0x18080] =	vst v63  }
0x73: {  	_ = 	snop  }
0x74: {  	[tilespmem:s25], [sflag:$0x2] =	stream.indirect_vreg.gather [hbm4b:s4+s3], $0x80, v3, vm0, $0xb8;
	[tilespmem:$0x18080] =	vst v63  }
0x75: {  	_ = 	snop  }
0x76: {  	[tilespmem:s26], [sflag:$0x2] =	stream.indirect_vreg.gather [hbm4b:s5+s3], $0x80, v3, vm0, $0xb8;
	[tilespmem:$0x18080] =	vst v63  }
0x77: {  	_ = 	snop  }
0x78: {  	[tilespmem:s28], [sflag:$0x2] =	stream.indirect_vreg.gather [hbm4b:s6+s3], $0x80, v3, vm0, $0xb8;
	[tilespmem:$0x18080] =	vst v63  }
0x79: {  	_ =	swait.ge [sflag:s29], $0x8000  }
0x7a: {  	[sflag:s29] =	ssyncset.done $0x0  }
0x7b: {  	s10 =	rddreg [dreg:$0x5];
	[sflag:s29] =	ssyncadd.s32 $0xFFFF8000  }
0x7c: {  	[hbm4b:s10+s3] =	stream.linear.scatter [tilespmem:s9], [sflag:$0x3], $0x8000, $0x38;
	[tilespmem:$0x18080] =	vst v63  }
0x7d: {  	_ =	swait.ge [sflag:s30], $0x8000  }
0x7e: {  	[sflag:s30] =	ssyncset.done $0x0  }
0x7f: {  	s10 =	rddreg [dreg:$0x6];
	[sflag:s30] =	ssyncadd.s32 $0xFFFF8000  }
0x80: {  	[hbm4b:s10+s3] =	stream.linear.scatter [tilespmem:s12], [sflag:$0x4], $0x8000, $0x38;
	[tilespmem:$0x18080] =	vst v63  }
0x81: {  	p0 =	sne.s32 s7, $0x1;
	_ =	swait.ge [sflag:s31], $0x8000  }
.Ltmp0:
0x82: {  	[sflag:s31] =	ssyncset.done $0x0;
	(pc) =	sbr.rel @p0 .LBB2_1-.Ltmp0, $4  }
0x83: {  	[sflag:s31] =	ssyncadd.s32 $0xFFFF8000  }
0x84: {  	_ =	swait.ge [sflag:s0], $0x8000  }
0x85: {  	[sflag:s0] =	ssyncset.done $0x0  }
0x86: {  	s7 =	sadd.s32 $0xFFFFFFFF, s7;
	[sflag:s0] =	ssyncadd.s32 $0xFFFF8000  }
0x87: {  	_ =	sfence.sel $0x180000  }
0x88: {  	[bflag:$0x0] =	sbarrier.arrive $0xFFFF  }
0x89: {  	_ =	strace $0x90000050  }
0x8a: {  	s0 =	stileid.u32;
	[bflag:$0x2] =	sbarrier.arrive $0xFFFF  }
0x8b: {  	p0 =	sne.s32 s0, $0x0;
	s0 =	rddreg [dreg:$0x3]  }
0x8c: {  	s0 =	sadd.s32 @!p0 $0x100000, s0  }
0x8d: {  	[sflag:s0] =	ssyncadd.tile.s32 @!p0 $0x1;
	_ =	shalt  }
.Lfunc_end2:
_tile_overlayer_lowered:
.L_overlay_start_2:
0x8e: {  	(tag) =	ssettag $0x2  }
0x8f: {  	s0 =	rddreg [dreg:$0x0];
	s2 =	stileid.u32  }
0x90: {  	s1 =	rddreg [dreg:$0x1];
	p0 =	sne.s32 s2, $0x0  }
0x91: {  	s3 =	rddreg [dreg:$0x2];
	[bflag:$0x3] =	sbarrier.arrive $0xFFFF;
	s2 =	simm.s32 @!p0 $0x1C05  }
0x92: {  	[timem:s3], [sflag:s2] =	dma.local @!p0 [hbm:s0], s1  }
0x93: {  	s0 =	simm.s32 @!p0 $0x5  }
0x94: {  	_ =	swait.ge @!p0 [sflag:s0], s1  }
0x95: {  	s1 =	ssub.s32 @!p0 $0x0, s1;
	[sflag:s0] =	ssyncset.done @!p0 $0x0  }
0x96: {  	[sflag:s0] =	ssyncadd.s32 @!p0 s1  }
0x97: {  	[bflag:$0x3] =	sbarrier.arrive $0xFFFF  }
0x98: {  	_ =	shalt  }

</sc_bundles>
